<compile_context>
chip_gen: v7x
topology: tpu7x:2x2x1
jax: 0.10.2.dev20260603
libtpu: 0.0.44.dev20260713+nightly
codegen_flags: <defaults>
</compile_context>

<pallas_src>
import functools

import jax
import jax.numpy as jnp
from jax import lax
from jax.experimental import pallas as pl
from jax.experimental.pallas import tpu as pltpu
from jax.experimental.pallas import tpu_sc as plsc

N = 10000
E = 640000
NW = 32
EW = E // NW
CH = 10000
G_HID = 32
N_OUT = 8
HID = 64
HD2 = 2 * HID

_MESH = dict(core_axis_name="c", subcore_axis_name="s", num_cores=2,
             num_subcores=16)


def _sc_scatter1(h_hbm, src_hbm, dst_hbm, out_hbm, h_v, acc_v, src_v, dst_v):
    cid = lax.axis_index("c")
    sid = lax.axis_index("s")
    wid = sid * 2 + cid
    base = wid * EW
    pltpu.sync_copy(h_hbm, h_v)

    zeros = jnp.zeros((16,), jnp.float32)

    def zbody(i, carry):
        acc_v[pl.ds(pl.multiple_of(i * 16, 16), 16)] = zeros
        return carry

    lax.fori_loop(0, N // 16, zbody, 0)

    def chunk(ci, carry):
        pltpu.sync_copy(src_hbm.at[pl.ds(base + ci * CH, CH)], src_v)
        pltpu.sync_copy(dst_hbm.at[pl.ds(base + ci * CH, CH)], dst_v)

        def vec(i, c2):
            off = pl.multiple_of(i * 16, 16)
            si = src_v[pl.ds(off, 16)]
            di = dst_v[pl.ds(off, 16)]
            vals = plsc.load_gather(h_v, [si])
            plsc.addupdate_scatter(acc_v, [di], vals)
            return c2

        lax.fori_loop(0, CH // 16, vec, 0)
        return carry

    lax.fori_loop(0, EW // CH, chunk, 0)
    pltpu.sync_copy(acc_v, out_hbm.at[wid])


_scatter1 = functools.partial(
    pl.kernel,
    out_type=jax.ShapeDtypeStruct((NW, N), jnp.float32),
    mesh=plsc.VectorSubcoreMesh(**_MESH),
    compiler_params=pltpu.CompilerParams(needs_layout_passes=False),
    scratch_types=[
        pltpu.VMEM((N,), jnp.float32),
        pltpu.VMEM((N,), jnp.float32),
        pltpu.VMEM((CH,), jnp.int32),
        pltpu.VMEM((CH,), jnp.int32),
    ],
)(_sc_scatter1)


def _sc_scatter8(gt_hbm, src_hbm, dst_hbm, out_hbm, g_v, acc_v, src_v, dst_v):
    cid = lax.axis_index("c")
    sid = lax.axis_index("s")
    wid = sid * 2 + cid
    base = wid * EW
    zeros = jnp.zeros((16,), jnp.float32)

    for hp in range(2):
        pltpu.sync_copy(gt_hbm.at[pl.ds(hp * 4, 4)], g_v)

        def zbody(i, carry):
            off = pl.multiple_of(i * 16, 16)
            for f in range(4):
                acc_v[f, pl.ds(off, 16)] = zeros
            return carry

        lax.fori_loop(0, N // 16, zbody, 0)

        def chunk(ci, carry):
            pltpu.sync_copy(src_hbm.at[pl.ds(base + ci * CH, CH)], src_v)
            pltpu.sync_copy(dst_hbm.at[pl.ds(base + ci * CH, CH)], dst_v)

            def vec(i, c2):
                off = pl.multiple_of(i * 16, 16)
                si = src_v[pl.ds(off, 16)]
                di = dst_v[pl.ds(off, 16)]
                for f in range(4):
                    fv = jnp.full((16,), f, jnp.int32)
                    vals = plsc.load_gather(g_v, [fv, si])
                    plsc.addupdate_scatter(acc_v, [fv, di], vals)
                return c2

            lax.fori_loop(0, CH // 16, vec, 0)
            return carry

        lax.fori_loop(0, EW // CH, chunk, 0)
        pltpu.sync_copy(acc_v, out_hbm.at[wid, pl.ds(hp * 4, 4)])


_scatter8 = functools.partial(
    pl.kernel,
    out_type=jax.ShapeDtypeStruct((NW, N_OUT, N), jnp.float32),
    mesh=plsc.VectorSubcoreMesh(**_MESH),
    compiler_params=pltpu.CompilerParams(needs_layout_passes=False),
    scratch_types=[
        pltpu.VMEM((4, N), jnp.float32),
        pltpu.VMEM((4, N), jnp.float32),
        pltpu.VMEM((CH,), jnp.int32),
        pltpu.VMEM((CH,), jnp.int32),
    ],
)(_sc_scatter8)


def _tc_dense(parts_ref, h_ref, w1rel_ref, w1root_ref, b1_ref, w2relT_ref,
              w2rootT_ref, gt_ref, rt_ref):
    s = jnp.sum(parts_ref[...], axis=0, keepdims=True)
    f = jnp.maximum(
        w1rel_ref[...] * s + w1root_ref[...] * h_ref[...] + b1_ref[...], 0.0)
    gt_ref[...] = jnp.dot(w2relT_ref[...], f,
                          preferred_element_type=jnp.float32)
    rt_ref[...] = jnp.dot(w2rootT_ref[...], f,
                          preferred_element_type=jnp.float32)


def _tc_lstm(parts_ref, rt_ref, b2_ref, wih_ref, bias_ref, whh_ref,
             wout_ref, wx_ref, xlast_ref, out_ref,
             p_ref, outs_ref):
    tt = jnp.sum(parts_ref[...], axis=0)
    ht = tt + rt_ref[...] + b2_ref[...]
    dn = (((0,), (0,)), ((), ()))
    p_ref[...] = lax.dot_general(
        ht, wih_ref[...], dn, preferred_element_type=jnp.float32,
    ) + bias_ref[...]

    whh = whh_ref[...]
    lane = lax.broadcasted_iota(jnp.int32, (1, 2 * HID), 1)
    lmask = lane < HID

    def body(t, carry):
        h, c = carry
        u = jnp.dot(h[:, :HID], whh, preferred_element_type=jnp.float32)
        z = u + p_ref[pl.ds(t, 1), :]
        tz = jnp.tanh(z)
        sz = 0.5 * tz + 0.5
        t1 = tz[:, 2 * HD2:3 * HD2]
        t1s = tz[:, 3 * HD2:4 * HD2]
        s0 = sz[:, 0 * HD2:1 * HD2]
        s0s = sz[:, 1 * HD2:2 * HD2]
        s1 = sz[:, 2 * HD2:3 * HD2]
        s1s = sz[:, 3 * HD2:4 * HD2]
        c2 = s0 * jnp.where(lmask, t1, c) + s0s * jnp.where(lmask, c, t1s)
        so = jnp.where(lmask, s1s, s1)
        h2 = so * jnp.tanh(c2)
        outs_ref[pl.ds(t, 1), :] = h2[:, :HID]
        return (h2, c2)

    h0 = jnp.zeros((1, 2 * HID), jnp.float32)
    lax.fori_loop(0, N, body, (h0, h0), unroll=8)

    const = jnp.sum(wx_ref[...] * xlast_ref[...])
    out_ref[...] = jnp.dot(outs_ref[...], wout_ref[...],
                           preferred_element_type=jnp.float32) + const


def kernel(x, edge_index, edge_attr, weather, time_encoding,
           conv1_W_rel, conv1_b_rel, conv1_W_root,
           conv2_W_rel, conv2_b_rel, conv2_W_root,
           W_ih, W_hh, b_ih, b_hh, W_lin, b_lin):
    del edge_attr
    h1d = x[0, -1, :]
    src = edge_index[0]
    dst = edge_index[1]

    parts_s = _scatter1(h1d, src, dst)

    tc_dense = pl.pallas_call(
        _tc_dense,
        out_shape=(
            jax.ShapeDtypeStruct((N_OUT, N), jnp.float32),
            jax.ShapeDtypeStruct((N_OUT, N), jnp.float32),
        ),
    )
    gt, rt = tc_dense(
        parts_s,
        h1d.reshape(1, N),
        conv1_W_rel.reshape(G_HID, 1),
        conv1_W_root.reshape(G_HID, 1),
        conv1_b_rel.reshape(G_HID, 1),
        conv2_W_rel.T,
        conv2_W_root.T,
    )

    parts_t = _scatter8(gt, src, dst)

    xlast = jnp.concatenate(
        [weather[0, -1, :], time_encoding[0, -1, :],
         jnp.ones((1,), jnp.float32)]).reshape(1, 15)
    wx = jnp.concatenate([W_lin[HID:, 0], b_lin]).reshape(1, 15)

    ii = jnp.arange(HID)
    blk = [ii, HID + ii, HID + ii, ii,
           2 * HID + ii, 3 * HID + ii, 3 * HID + ii, 2 * HID + ii]
    perm = jnp.concatenate(blk)
    is_g = (perm >= 2 * HID) & (perm < 3 * HID)
    scale = jnp.where(is_g, 1.0, 0.5).astype(jnp.float32)

    wih512 = (W_ih.T)[:, perm] * scale
    bias512 = ((b_ih + b_hh)[perm] * scale).reshape(1, 4 * HD2)
    whh512 = (W_hh.T)[:, perm] * scale

    tc_lstm = pl.pallas_call(
        _tc_lstm,
        out_shape=jax.ShapeDtypeStruct((N, 1), jnp.float32),
        scratch_shapes=[
            pltpu.VMEM((N, 4 * HD2), jnp.float32),
            pltpu.VMEM((N, HID), jnp.float32),
        ],
    )
    pred = tc_lstm(
        parts_t,
        rt,
        conv2_b_rel.reshape(N_OUT, 1),
        wih512,
        bias512,
        whh512,
        W_lin[:HID],
        wx,
        xlast,
    )
    return pred.reshape(1, N, 1)

# --- scband reference (transcript-rebuilt; emitter-appended) ---
"""Pipeline reference for scband-baseline-gnnlstm-85418309582938 (READ-ONLY COPY).

The authoritative reference and input builder live on the scoring server;
editing this copy changes nothing except your own understanding.
"""

import jax, jax.numpy as jnp
import numpy as np

N_NODES = 10000
N_EDGES = 640000
NUM_HIST = 8
BATCH = 1
W_FEAT = 8
T_FEAT = 6
G_HID = 32
N_OUT = 8
HID = 64


def setup_inputs(seed: int = 0) -> dict:
    key = jax.random.key(seed)
    ks = jax.random.split(key, 24)
    x = jax.random.normal(ks[0], (BATCH, NUM_HIST, N_NODES), dtype=jnp.float32)
    edge_index = jax.random.randint(ks[1], (2, N_EDGES), 0, N_NODES, dtype=jnp.int32)
    edge_attr = jax.random.uniform(ks[2], (N_EDGES,), dtype=jnp.float32)
    weather = jax.random.normal(ks[3], (BATCH, NUM_HIST, W_FEAT), dtype=jnp.float32)
    time_encoding = jax.random.normal(ks[4], (BATCH, NUM_HIST, T_FEAT), dtype=jnp.float32)
    # GraphConv 1: in=1 -> out=32  (lin_rel has bias, lin_root no bias)
    conv1_W_rel = jax.random.normal(ks[5], (1, G_HID), dtype=jnp.float32) * 0.1
    conv1_b_rel = jax.random.normal(ks[6], (G_HID,), dtype=jnp.float32) * 0.1
    conv1_W_root = jax.random.normal(ks[7], (1, G_HID), dtype=jnp.float32) * 0.1
    # GraphConv 2: in=32 -> out=8
    conv2_W_rel = jax.random.normal(ks[8], (G_HID, N_OUT), dtype=jnp.float32) * 0.1
    conv2_b_rel = jax.random.normal(ks[9], (N_OUT,), dtype=jnp.float32) * 0.1
    conv2_W_root = jax.random.normal(ks[10], (G_HID, N_OUT), dtype=jnp.float32) * 0.1
    # LSTM (torch gate order i, f, g, o)
    W_ih = jax.random.normal(ks[11], (4 * HID, N_OUT), dtype=jnp.float32) * 0.1
    W_hh = jax.random.normal(ks[12], (4 * HID, HID), dtype=jnp.float32) * 0.1
    b_ih = jax.random.normal(ks[13], (4 * HID,), dtype=jnp.float32) * 0.1
    b_hh = jax.random.normal(ks[14], (4 * HID,), dtype=jnp.float32) * 0.1
    # Final linear: (hidden + weather + time) -> 1
    W_lin = jax.random.normal(ks[15], (HID + W_FEAT + T_FEAT, 1), dtype=jnp.float32) * 0.1
    b_lin = jax.random.normal(ks[16], (1,), dtype=jnp.float32) * 0.1
    return {
        'x': x, 'edge_index': edge_index, 'edge_attr': edge_attr,
        'weather': weather, 'time_encoding': time_encoding,
        'conv1_W_rel': conv1_W_rel, 'conv1_b_rel': conv1_b_rel, 'conv1_W_root': conv1_W_root,
        'conv2_W_rel': conv2_W_rel, 'conv2_b_rel': conv2_b_rel, 'conv2_W_root': conv2_W_root,
        'W_ih': W_ih, 'W_hh': W_hh, 'b_ih': b_ih, 'b_hh': b_hh,
        'W_lin': W_lin, 'b_lin': b_lin,
    }


def reference(x, edge_index, edge_attr, weather, time_encoding,
              conv1_W_rel, conv1_b_rel, conv1_W_root,
              conv2_W_rel, conv2_b_rel, conv2_W_root,
              W_ih, W_hh, b_ih, b_hh, W_lin, b_lin):
    batch, num_hist, nodes = x.shape
    src = edge_index[0]
    dst = edge_index[1]
    n_total = batch * nodes

    def gconv(h, W_rel, b_rel, W_root):
        # PyG GraphConv: out_i = W_root x_i + W_rel * sum_{j in N(i)} x_j + b
        msg = jnp.take(h, src, axis=0)
        agg = jax.ops.segment_sum(msg, dst, num_segments=n_total)
        return agg @ W_rel + b_rel + h @ W_root

    steps = []
    for i in range(num_hist):
        h = x[:, i, :].reshape(-1, 1)
        h = gconv(h, conv1_W_rel, conv1_b_rel, conv1_W_root)
        h = jax.nn.relu(h)
        # dropout omitted (eval mode)
        h = gconv(h, conv2_W_rel, conv2_b_rel, conv2_W_root)
        steps.append(h)
    lstm_inputs = jnp.stack(steps, axis=0)  # [num_hist, batch*nodes, N_OUT]

    # torch LSTM with batch_first=True sees dim0=num_hist as batch, dim1=batch*nodes as seq
    xs = jnp.transpose(lstm_inputs, (1, 0, 2))  # [seq, lstm_batch, feat]
    h0 = jnp.zeros((num_hist, HID), dtype=x.dtype)
    c0 = jnp.zeros((num_hist, HID), dtype=x.dtype)

    def step(carry, xt):
        h, c = carry
        gates = xt @ W_ih.T + b_ih + h @ W_hh.T + b_hh
        i_g, f_g, g_g, o_g = jnp.split(gates, 4, axis=-1)
        i_g = jax.nn.sigmoid(i_g)
        f_g = jax.nn.sigmoid(f_g)
        g_g = jnp.tanh(g_g)
        o_g = jax.nn.sigmoid(o_g)
        c_new = f_g * c + i_g * g_g
        h_new = o_g * jnp.tanh(c_new)
        return (h_new, c_new), h_new

    _, outs = jax.lax.scan(step, (h0, c0), xs)  # [seq, num_hist, HID]
    out = jnp.transpose(outs, (1, 0, 2))  # [num_hist, seq, HID]
    out_last = out[-1]  # [batch*nodes, HID]

    weather_rep = jnp.tile(weather[:, -1, :], (nodes, 1))
    time_rep = jnp.tile(time_encoding[:, -1, :], (nodes, 1))
    emb = jnp.concatenate([out_last, weather_rep, time_rep], axis=1)
    pred = emb @ W_lin + b_lin
    return pred.reshape(batch, nodes, 1)

if __name__ == "__main__":
    import jax
    _d = setup_inputs()
    print(jax.jit(kernel)(*tuple(_d.values())))

</pallas_src>

<mosaic_0001>
#map = affine_map<(d0, d1) -> (0, 0)>
#map1 = affine_map<(d0, d1) -> (0)>
#map2 = affine_map<(d0, d1) -> (0, 0, 0)>
module attributes {stable_mosaic.version = 14 : i64} {
  func.func @_sc_scatter8(%arg0: i32, %arg1: i32, %arg2: memref<8x10000xf32, #tpu.memory_space<hbm>>, %arg3: memref<640000xi32, #tpu.memory_space<hbm>>, %arg4: memref<640000xi32, #tpu.memory_space<hbm>>, %arg5: memref<32x8x10000xf32, #tpu.memory_space<hbm>>, %arg6: memref<4x10000xf32, #tpu.memory_space<vmem>>, %arg7: memref<4x10000xf32, #tpu.memory_space<vmem>>, %arg8: memref<10000xi32, #tpu.memory_space<vmem>>, %arg9: memref<10000xi32, #tpu.memory_space<vmem>>) attributes {dimension_semantics = [#tpu.dimension_semantics<core_parallel>, #tpu.dimension_semantics<subcore_parallel>], iteration_bounds = array<i64: 2, 16>, scalar_prefetch = 0 : i64, scratch_operands = 4 : i64, tpu.core_type = #tpu.core_type<sc_vector_subcore>, window_params = [{transform_indices = #map}, {transform_indices = #map1}, {transform_indices = #map1}, {transform_indices = #map2}]} {
    %mul3A = arith.constant 2 : i32
    %mul3A_0 = arith.muli %arg1, %mul3A : i32
    %add3A = arith.addi %mul3A_0, %arg0 : i32
    %mul3A_1 = arith.constant 20000 : i32
    %mul3A_2 = arith.muli %add3A, %mul3A_1 : i32
    %broadcast_in_dim3A = arith.constant 0.000000e+00 : f32
    %broadcast_in_dim3A_3 = vector.broadcast %broadcast_in_dim3A : f32 to vector<16xf32>
    "tpu.region"() ({
      %run_scoped3A = tpu.sem_alloc : memref<!tpu.dma_semaphore, #tpu.memory_space<semaphore_mem>>
      %dma_start3A = arith.constant 0 : i32
      %dma_start3A_27 = arith.constant 0 : i32
      %dma_start3A_28 = tpu.memref_slice %arg2[%dma_start3A, %dma_start3A_27] : memref<8x10000xf32, #tpu.memory_space<hbm>> -> memref<4x10000xf32, #tpu.memory_space<hbm>>
      %dma_start3A_29 = arith.constant 0 : i32
      %dma_start3A_30 = arith.constant 0 : i32
      %dma_start3A_31 = tpu.memref_slice %arg2[%dma_start3A_29, %dma_start3A_30] : memref<8x10000xf32, #tpu.memory_space<hbm>> -> memref<4x10000xf32, #tpu.memory_space<hbm>>
      tpu.enqueue_dma source(%dma_start3A_31 : memref<4x10000xf32, #tpu.memory_space<hbm>>) target(%arg6 : memref<4x10000xf32, #tpu.memory_space<vmem>>) target_semaphore(%run_scoped3A : memref<!tpu.dma_semaphore, #tpu.memory_space<semaphore_mem>>)
      %dma_wait3A = arith.constant 0 : i32
      %dma_wait3A_32 = arith.constant 0 : i32
      %dma_wait3A_33 = tpu.memref_slice %arg2[%dma_wait3A, %dma_wait3A_32] : memref<8x10000xf32, #tpu.memory_space<hbm>> -> memref<4x10000xf32, #tpu.memory_space<hbm>>
      %dma_wait3A_34 = arith.constant 0 : i32
      %dma_wait3A_35 = arith.constant 0 : i32
      %dma_wait3A_36 = tpu.memref_slice %arg2[%dma_wait3A_34, %dma_wait3A_35] : memref<8x10000xf32, #tpu.memory_space<hbm>> -> memref<4x10000xf32, #tpu.memory_space<hbm>>
      tpu.wait_dma2 semaphore(%run_scoped3A : memref<!tpu.dma_semaphore, #tpu.memory_space<semaphore_mem>>) src(%dma_wait3A_36 : memref<4x10000xf32, #tpu.memory_space<hbm>>) dst(%arg6 : memref<4x10000xf32, #tpu.memory_space<vmem>>)
      tpu.yield
    }) : () -> ()
    %scan3A = arith.constant 0 : i32
    %scan3A_4 = arith.constant 0 : i32
    %scan3A_5 = arith.constant 625 : i32
    %scan3A_6 = arith.addi %scan3A_4, %scan3A_5 : i32
    %scan3A_7 = arith.constant 1 : i32
    scf.for %scan3A_27 = %scan3A_4 to %scan3A_6 step %scan3A_7  : i32 {
      %mul3A_28 = arith.constant 16 : i32
      %mul3A_29 = arith.muli %scan3A_27, %mul3A_28 : i32
      %multiple_of3A = tpu.assume_multiple %mul3A_29, 16 : i32
      %swap3A = arith.constant 0 : i32
      %swap3A_30 = arith.index_cast %swap3A : i32 to index
      %swap3A_31 = arith.index_cast %multiple_of3A : i32 to index
      %swap3A_32 = tpu.vector_load %arg7[%swap3A_30, %swap3A_31] {strides = array<i32>} : memref<4x10000xf32, #tpu.memory_space<vmem>>, vector<16xf32>,
      tpu.vector_store %arg7[%swap3A_30, %swap3A_31], %broadcast_in_dim3A_3 {strides = array<i32>} : memref<4x10000xf32, #tpu.memory_space<vmem>>, vector<16xf32>,
      %swap3A_33 = arith.constant 1 : i32
      %swap3A_34 = arith.index_cast %swap3A_33 : i32 to index
      %swap3A_35 = arith.index_cast %multiple_of3A : i32 to index
      %swap3A_36 = tpu.vector_load %arg7[%swap3A_34, %swap3A_35] {strides = array<i32>} : memref<4x10000xf32, #tpu.memory_space<vmem>>, vector<16xf32>,
      tpu.vector_store %arg7[%swap3A_34, %swap3A_35], %broadcast_in_dim3A_3 {strides = array<i32>} : memref<4x10000xf32, #tpu.memory_space<vmem>>, vector<16xf32>,
      %swap3A_37 = arith.constant 2 : i32
      %swap3A_38 = arith.index_cast %swap3A_37 : i32 to index
      %swap3A_39 = arith.index_cast %multiple_of3A : i32 to index
      %swap3A_40 = tpu.vector_load %arg7[%swap3A_38, %swap3A_39] {strides = array<i32>} : memref<4x10000xf32, #tpu.memory_space<vmem>>, vector<16xf32>,
      tpu.vector_store %arg7[%swap3A_38, %swap3A_39], %broadcast_in_dim3A_3 {strides = array<i32>} : memref<4x10000xf32, #tpu.memory_space<vmem>>, vector<16xf32>,
      %swap3A_41 = arith.constant 3 : i32
      %swap3A_42 = arith.index_cast %swap3A_41 : i32 to index
      %swap3A_43 = arith.index_cast %multiple_of3A : i32 to index
      %swap3A_44 = tpu.vector_load %arg7[%swap3A_42, %swap3A_43] {strides = array<i32>} : memref<4x10000xf32, #tpu.memory_space<vmem>>, vector<16xf32>,
      tpu.vector_store %arg7[%swap3A_42, %swap3A_43], %broadcast_in_dim3A_3 {strides = array<i32>} : memref<4x10000xf32, #tpu.memory_space<vmem>>, vector<16xf32>,
    }
    %scan3A_8 = arith.constant 625 : i32
    %scan3A_9 = arith.constant 0 : i32
    %scan3A_10 = arith.constant 0 : i32
    %scan3A_11 = arith.constant 2 : i32
    %scan3A_12 = arith.addi %scan3A_10, %scan3A_11 : i32
    %scan3A_13 = arith.constant 1 : i32
    scf.for %scan3A_27 = %scan3A_10 to %scan3A_12 step %scan3A_13  : i32 {
      %mul3A_28 = arith.constant 10000 : i32
      %mul3A_29 = arith.muli %scan3A_27, %mul3A_28 : i32
      %add3A_30 = arith.addi %mul3A_2, %mul3A_29 : i32
      "tpu.region"() ({
        %run_scoped3A = tpu.sem_alloc : memref<!tpu.dma_semaphore, #tpu.memory_space<semaphore_mem>>
        %dma_start3A = tpu.memref_slice %arg3[%add3A_30] : memref<640000xi32, #tpu.memory_space<hbm>> -> memref<10000xi32, #tpu.memory_space<hbm>>
        %dma_start3A_40 = tpu.memref_slice %arg3[%add3A_30] : memref<640000xi32, #tpu.memory_space<hbm>> -> memref<10000xi32, #tpu.memory_space<hbm>>
        tpu.enqueue_dma source(%dma_start3A_40 : memref<10000xi32, #tpu.memory_space<hbm>>) target(%arg8 : memref<10000xi32, #tpu.memory_space<vmem>>) target_semaphore(%run_scoped3A : memref<!tpu.dma_semaphore, #tpu.memory_space<semaphore_mem>>)
        %dma_wait3A = tpu.memref_slice %arg3[%add3A_30] : memref<640000xi32, #tpu.memory_space<hbm>> -> memref<10000xi32, #tpu.memory_space<hbm>>
        %dma_wait3A_41 = tpu.memref_slice %arg3[%add3A_30] : memref<640000xi32, #tpu.memory_space<hbm>> -> memref<10000xi32, #tpu.memory_space<hbm>>
        tpu.wait_dma2 semaphore(%run_scoped3A : memref<!tpu.dma_semaphore, #tpu.memory_space<semaphore_mem>>) src(%dma_wait3A_41 : memref<10000xi32, #tpu.memory_space<hbm>>) dst(%arg8 : memref<10000xi32, #tpu.memory_space<vmem>>)
        tpu.yield
      }) : () -> ()
      %mul3A_31 = arith.constant 10000 : i32
      %mul3A_32 = arith.muli %scan3A_27, %mul3A_31 : i32
      %add3A_33 = arith.addi %mul3A_2, %mul3A_32 : i32
      "tpu.region"() ({
        %run_scoped3A = tpu.sem_alloc : memref<!tpu.dma_semaphore, #tpu.memory_space<semaphore_mem>>
        %dma_start3A = tpu.memref_slice %arg4[%add3A_33] : memref<640000xi32, #tpu.memory_space<hbm>> -> memref<10000xi32, #tpu.memory_space<hbm>>
        %dma_start3A_40 = tpu.memref_slice %arg4[%add3A_33] : memref<640000xi32, #tpu.memory_space<hbm>> -> memref<10000xi32, #tpu.memory_space<hbm>>
        tpu.enqueue_dma source(%dma_start3A_40 : memref<10000xi32, #tpu.memory_space<hbm>>) target(%arg9 : memref<10000xi32, #tpu.memory_space<vmem>>) target_semaphore(%run_scoped3A : memref<!tpu.dma_semaphore, #tpu.memory_space<semaphore_mem>>)
        %dma_wait3A = tpu.memref_slice %arg4[%add3A_33] : memref<640000xi32, #tpu.memory_space<hbm>> -> memref<10000xi32, #tpu.memory_space<hbm>>
        %dma_wait3A_41 = tpu.memref_slice %arg4[%add3A_33] : memref<640000xi32, #tpu.memory_space<hbm>> -> memref<10000xi32, #tpu.memory_space<hbm>>
        tpu.wait_dma2 semaphore(%run_scoped3A : memref<!tpu.dma_semaphore, #tpu.memory_space<semaphore_mem>>) src(%dma_wait3A_41 : memref<10000xi32, #tpu.memory_space<hbm>>) dst(%arg9 : memref<10000xi32, #tpu.memory_space<vmem>>)
        tpu.yield
      }) : () -> ()
      %scan3A_34 = arith.constant 0 : i32
      %scan3A_35 = arith.constant 0 : i32
      %scan3A_36 = arith.constant 625 : i32
      %scan3A_37 = arith.addi %scan3A_35, %scan3A_36 : i32
      %scan3A_38 = arith.constant 1 : i32
      scf.for %scan3A_40 = %scan3A_35 to %scan3A_37 step %scan3A_38  : i32 {
        %mul3A_41 = arith.constant 16 : i32
        %mul3A_42 = arith.muli %scan3A_40, %mul3A_41 : i32
        %multiple_of3A = tpu.assume_multiple %mul3A_42, 16 : i32
        %get3A = arith.index_cast %multiple_of3A : i32 to index
        %get3A_43 = tpu.vector_load %arg8[%get3A] {strides = array<i32>} : memref<10000xi32, #tpu.memory_space<vmem>>, vector<16xi32>,
        %get3A_44 = arith.index_cast %multiple_of3A : i32 to index
        %get3A_45 = tpu.vector_load %arg9[%get3A_44] {strides = array<i32>} : memref<10000xi32, #tpu.memory_space<vmem>>, vector<16xi32>,
        %broadcast_in_dim3A_46 = arith.constant 0 : i32
        %broadcast_in_dim3A_47 = vector.broadcast %broadcast_in_dim3A_46 : i32 to vector<16xi32>
        %gather3A = tpu.vector_load_idx %arg6[%broadcast_in_dim3A_47, %get3A_43] : memref<4x10000xf32, #tpu.memory_space<vmem>>[vector<16xi32>, vector<16xi32>], vector<16xf32>,
        tpu.vector_store_idx %arg7[%broadcast_in_dim3A_47, %get3A_45], %gather3A {add = true} : memref<4x10000xf32, #tpu.memory_space<vmem>>[vector<16xi32>, vector<16xi32>], vector<16xf32>,
        %broadcast_in_dim3A_48 = arith.constant 1 : i32
        %broadcast_in_dim3A_49 = vector.broadcast %broadcast_in_dim3A_48 : i32 to vector<16xi32>
        %gather3A_50 = tpu.vector_load_idx %arg6[%broadcast_in_dim3A_49, %get3A_43] : memref<4x10000xf32, #tpu.memory_space<vmem>>[vector<16xi32>, vector<16xi32>], vector<16xf32>,
        tpu.vector_store_idx %arg7[%broadcast_in_dim3A_49, %get3A_45], %gather3A_50 {add = true} : memref<4x10000xf32, #tpu.memory_space<vmem>>[vector<16xi32>, vector<16xi32>], vector<16xf32>,
        %broadcast_in_dim3A_51 = arith.constant 2 : i32
        %broadcast_in_dim3A_52 = vector.broadcast %broadcast_in_dim3A_51 : i32 to vector<16xi32>
        %gather3A_53 = tpu.vector_load_idx %arg6[%broadcast_in_dim3A_52, %get3A_43] : memref<4x10000xf32, #tpu.memory_space<vmem>>[vector<16xi32>, vector<16xi32>], vector<16xf32>,
        tpu.vector_store_idx %arg7[%broadcast_in_dim3A_52, %get3A_45], %gather3A_53 {add = true} : memref<4x10000xf32, #tpu.memory_space<vmem>>[vector<16xi32>, vector<16xi32>], vector<16xf32>,
        %broadcast_in_dim3A_54 = arith.constant 3 : i32
        %broadcast_in_dim3A_55 = vector.broadcast %broadcast_in_dim3A_54 : i32 to vector<16xi32>
        %gather3A_56 = tpu.vector_load_idx %arg6[%broadcast_in_dim3A_55, %get3A_43] : memref<4x10000xf32, #tpu.memory_space<vmem>>[vector<16xi32>, vector<16xi32>], vector<16xf32>,
        tpu.vector_store_idx %arg7[%broadcast_in_dim3A_55, %get3A_45], %gather3A_56 {add = true} : memref<4x10000xf32, #tpu.memory_space<vmem>>[vector<16xi32>, vector<16xi32>], vector<16xf32>,
      }
      %scan3A_39 = arith.constant 625 : i32
    }
    %scan3A_14 = arith.constant 2 : i32
    "tpu.region"() ({
      %run_scoped3A = tpu.sem_alloc : memref<!tpu.dma_semaphore, #tpu.memory_space<semaphore_mem>>
      %dma_start3A = arith.constant 0 : i32
      %dma_start3A_27 = arith.constant 0 : i32
      %dma_start3A_28 = tpu.memref_slice %arg5[%add3A, %dma_start3A, %dma_start3A_27] : memref<32x8x10000xf32, #tpu.memory_space<hbm>> -> memref<1x4x10000xf32, #tpu.memory_space<hbm>>
      %dma_start3A_29 = tpu.memref_squeeze %dma_start3A_28 : memref<1x4x10000xf32, #tpu.memory_space<hbm>> -> memref<4x10000xf32, #tpu.memory_space<hbm>>
      %dma_start3A_30 = arith.constant 0 : i32
      %dma_start3A_31 = arith.constant 0 : i32
      %dma_start3A_32 = tpu.memref_slice %arg5[%add3A, %dma_start3A_30, %dma_start3A_31] : memref<32x8x10000xf32, #tpu.memory_space<hbm>> -> memref<1x4x10000xf32, #tpu.memory_space<hbm>>
      %dma_start3A_33 = tpu.memref_squeeze %dma_start3A_32 : memref<1x4x10000xf32, #tpu.memory_space<hbm>> -> memref<4x10000xf32, #tpu.memory_space<hbm>>
      tpu.enqueue_dma source(%arg7 : memref<4x10000xf32, #tpu.memory_space<vmem>>) target(%dma_start3A_33 : memref<4x10000xf32, #tpu.memory_space<hbm>>) target_semaphore(%run_scoped3A : memref<!tpu.dma_semaphore, #tpu.memory_space<semaphore_mem>>)
      %dma_wait3A = arith.constant 0 : i32
      %dma_wait3A_34 = arith.constant 0 : i32
      %dma_wait3A_35 = tpu.memref_slice %arg5[%add3A, %dma_wait3A, %dma_wait3A_34] : memref<32x8x10000xf32, #tpu.memory_space<hbm>> -> memref<1x4x10000xf32, #tpu.memory_space<hbm>>
      %dma_wait3A_36 = tpu.memref_squeeze %dma_wait3A_35 : memref<1x4x10000xf32, #tpu.memory_space<hbm>> -> memref<4x10000xf32, #tpu.memory_space<hbm>>
      %dma_wait3A_37 = arith.constant 0 : i32
      %dma_wait3A_38 = arith.constant 0 : i32
      %dma_wait3A_39 = tpu.memref_slice %arg5[%add3A, %dma_wait3A_37, %dma_wait3A_38] : memref<32x8x10000xf32, #tpu.memory_space<hbm>> -> memref<1x4x10000xf32, #tpu.memory_space<hbm>>
      %dma_wait3A_40 = tpu.memref_squeeze %dma_wait3A_39 : memref<1x4x10000xf32, #tpu.memory_space<hbm>> -> memref<4x10000xf32, #tpu.memory_space<hbm>>
      tpu.wait_dma2 semaphore(%run_scoped3A : memref<!tpu.dma_semaphore, #tpu.memory_space<semaphore_mem>>) src(%arg7 : memref<4x10000xf32, #tpu.memory_space<vmem>>) dst(%dma_wait3A_40 : memref<4x10000xf32, #tpu.memory_space<hbm>>)
      tpu.yield
    }) : () -> ()
    "tpu.region"() ({
      %run_scoped3A = tpu.sem_alloc : memref<!tpu.dma_semaphore, #tpu.memory_space<semaphore_mem>>
      %dma_start3A = arith.constant 4 : i32
      %dma_start3A_27 = arith.constant 0 : i32
      %dma_start3A_28 = tpu.memref_slice %arg2[%dma_start3A, %dma_start3A_27] : memref<8x10000xf32, #tpu.memory_space<hbm>> -> memref<4x10000xf32, #tpu.memory_space<hbm>>
      %dma_start3A_29 = arith.constant 4 : i32
      %dma_start3A_30 = arith.constant 0 : i32
      %dma_start3A_31 = tpu.memref_slice %arg2[%dma_start3A_29, %dma_start3A_30] : memref<8x10000xf32, #tpu.memory_space<hbm>> -> memref<4x10000xf32, #tpu.memory_space<hbm>>
      tpu.enqueue_dma source(%dma_start3A_31 : memref<4x10000xf32, #tpu.memory_space<hbm>>) target(%arg6 : memref<4x10000xf32, #tpu.memory_space<vmem>>) target_semaphore(%run_scoped3A : memref<!tpu.dma_semaphore, #tpu.memory_space<semaphore_mem>>)
      %dma_wait3A = arith.constant 4 : i32
      %dma_wait3A_32 = arith.constant 0 : i32
      %dma_wait3A_33 = tpu.memref_slice %arg2[%dma_wait3A, %dma_wait3A_32] : memref<8x10000xf32, #tpu.memory_space<hbm>> -> memref<4x10000xf32, #tpu.memory_space<hbm>>
      %dma_wait3A_34 = arith.constant 4 : i32
      %dma_wait3A_35 = arith.constant 0 : i32
      %dma_wait3A_36 = tpu.memref_slice %arg2[%dma_wait3A_34, %dma_wait3A_35] : memref<8x10000xf32, #tpu.memory_space<hbm>> -> memref<4x10000xf32, #tpu.memory_space<hbm>>
      tpu.wait_dma2 semaphore(%run_scoped3A : memref<!tpu.dma_semaphore, #tpu.memory_space<semaphore_mem>>) src(%dma_wait3A_36 : memref<4x10000xf32, #tpu.memory_space<hbm>>) dst(%arg6 : memref<4x10000xf32, #tpu.memory_space<vmem>>)
      tpu.yield
    }) : () -> ()
    %scan3A_15 = arith.constant 0 : i32
    %scan3A_16 = arith.constant 0 : i32
    %scan3A_17 = arith.constant 625 : i32
    %scan3A_18 = arith.addi %scan3A_16, %scan3A_17 : i32
    %scan3A_19 = arith.constant 1 : i32
    scf.for %scan3A_27 = %scan3A_16 to %scan3A_18 step %scan3A_19  : i32 {
      %mul3A_28 = arith.constant 16 : i32
      %mul3A_29 = arith.muli %scan3A_27, %mul3A_28 : i32
      %multiple_of3A = tpu.assume_multiple %mul3A_29, 16 : i32
      %swap3A = arith.constant 0 : i32
      %swap3A_30 = arith.index_cast %swap3A : i32 to index
      %swap3A_31 = arith.index_cast %multiple_of3A : i32 to index
      %swap3A_32 = tpu.vector_load %arg7[%swap3A_30, %swap3A_31] {strides = array<i32>} : memref<4x10000xf32, #tpu.memory_space<vmem>>, vector<16xf32>,
      tpu.vector_store %arg7[%swap3A_30, %swap3A_31], %broadcast_in_dim3A_3 {strides = array<i32>} : memref<4x10000xf32, #tpu.memory_space<vmem>>, vector<16xf32>,
      %swap3A_33 = arith.constant 1 : i32
      %swap3A_34 = arith.index_cast %swap3A_33 : i32 to index
      %swap3A_35 = arith.index_cast %multiple_of3A : i32 to index
      %swap3A_36 = tpu.vector_load %arg7[%swap3A_34, %swap3A_35] {strides = array<i32>} : memref<4x10000xf32, #tpu.memory_space<vmem>>, vector<16xf32>,
      tpu.vector_store %arg7[%swap3A_34, %swap3A_35], %broadcast_in_dim3A_3 {strides = array<i32>} : memref<4x10000xf32, #tpu.memory_space<vmem>>, vector<16xf32>,
      %swap3A_37 = arith.constant 2 : i32
      %swap3A_38 = arith.index_cast %swap3A_37 : i32 to index
      %swap3A_39 = arith.index_cast %multiple_of3A : i32 to index
      %swap3A_40 = tpu.vector_load %arg7[%swap3A_38, %swap3A_39] {strides = array<i32>} : memref<4x10000xf32, #tpu.memory_space<vmem>>, vector<16xf32>,
      tpu.vector_store %arg7[%swap3A_38, %swap3A_39], %broadcast_in_dim3A_3 {strides = array<i32>} : memref<4x10000xf32, #tpu.memory_space<vmem>>, vector<16xf32>,
      %swap3A_41 = arith.constant 3 : i32
      %swap3A_42 = arith.index_cast %swap3A_41 : i32 to index
      %swap3A_43 = arith.index_cast %multiple_of3A : i32 to index
      %swap3A_44 = tpu.vector_load %arg7[%swap3A_42, %swap3A_43] {strides = array<i32>} : memref<4x10000xf32, #tpu.memory_space<vmem>>, vector<16xf32>,
      tpu.vector_store %arg7[%swap3A_42, %swap3A_43], %broadcast_in_dim3A_3 {strides = array<i32>} : memref<4x10000xf32, #tpu.memory_space<vmem>>, vector<16xf32>,
    }
    %scan3A_20 = arith.constant 625 : i32
    %scan3A_21 = arith.constant 0 : i32
    %scan3A_22 = arith.constant 0 : i32
    %scan3A_23 = arith.constant 2 : i32
    %scan3A_24 = arith.addi %scan3A_22, %scan3A_23 : i32
    %scan3A_25 = arith.constant 1 : i32
    scf.for %scan3A_27 = %scan3A_22 to %scan3A_24 step %scan3A_25  : i32 {
      %mul3A_28 = arith.constant 10000 : i32
      %mul3A_29 = arith.muli %scan3A_27, %mul3A_28 : i32
      %add3A_30 = arith.addi %mul3A_2, %mul3A_29 : i32
      "tpu.region"() ({
        %run_scoped3A = tpu.sem_alloc : memref<!tpu.dma_semaphore, #tpu.memory_space<semaphore_mem>>
        %dma_start3A = tpu.memref_slice %arg3[%add3A_30] : memref<640000xi32, #tpu.memory_space<hbm>> -> memref<10000xi32, #tpu.memory_space<hbm>>
        %dma_start3A_40 = tpu.memref_slice %arg3[%add3A_30] : memref<640000xi32, #tpu.memory_space<hbm>> -> memref<10000xi32, #tpu.memory_space<hbm>>
        tpu.enqueue_dma source(%dma_start3A_40 : memref<10000xi32, #tpu.memory_space<hbm>>) target(%arg8 : memref<10000xi32, #tpu.memory_space<vmem>>) target_semaphore(%run_scoped3A : memref<!tpu.dma_semaphore, #tpu.memory_space<semaphore_mem>>)
        %dma_wait3A = tpu.memref_slice %arg3[%add3A_30] : memref<640000xi32, #tpu.memory_space<hbm>> -> memref<10000xi32, #tpu.memory_space<hbm>>
        %dma_wait3A_41 = tpu.memref_slice %arg3[%add3A_30] : memref<640000xi32, #tpu.memory_space<hbm>> -> memref<10000xi32, #tpu.memory_space<hbm>>
        tpu.wait_dma2 semaphore(%run_scoped3A : memref<!tpu.dma_semaphore, #tpu.memory_space<semaphore_mem>>) src(%dma_wait3A_41 : memref<10000xi32, #tpu.memory_space<hbm>>) dst(%arg8 : memref<10000xi32, #tpu.memory_space<vmem>>)
        tpu.yield
      }) : () -> ()
      %mul3A_31 = arith.constant 10000 : i32
      %mul3A_32 = arith.muli %scan3A_27, %mul3A_31 : i32
      %add3A_33 = arith.addi %mul3A_2, %mul3A_32 : i32
      "tpu.region"() ({
        %run_scoped3A = tpu.sem_alloc : memref<!tpu.dma_semaphore, #tpu.memory_space<semaphore_mem>>
        %dma_start3A = tpu.memref_slice %arg4[%add3A_33] : memref<640000xi32, #tpu.memory_space<hbm>> -> memref<10000xi32, #tpu.memory_space<hbm>>
        %dma_start3A_40 = tpu.memref_slice %arg4[%add3A_33] : memref<640000xi32, #tpu.memory_space<hbm>> -> memref<10000xi32, #tpu.memory_space<hbm>>
        tpu.enqueue_dma source(%dma_start3A_40 : memref<10000xi32, #tpu.memory_space<hbm>>) target(%arg9 : memref<10000xi32, #tpu.memory_space<vmem>>) target_semaphore(%run_scoped3A : memref<!tpu.dma_semaphore, #tpu.memory_space<semaphore_mem>>)
        %dma_wait3A = tpu.memref_slice %arg4[%add3A_33] : memref<640000xi32, #tpu.memory_space<hbm>> -> memref<10000xi32, #tpu.memory_space<hbm>>
        %dma_wait3A_41 = tpu.memref_slice %arg4[%add3A_33] : memref<640000xi32, #tpu.memory_space<hbm>> -> memref<10000xi32, #tpu.memory_space<hbm>>
        tpu.wait_dma2 semaphore(%run_scoped3A : memref<!tpu.dma_semaphore, #tpu.memory_space<semaphore_mem>>) src(%dma_wait3A_41 : memref<10000xi32, #tpu.memory_space<hbm>>) dst(%arg9 : memref<10000xi32, #tpu.memory_space<vmem>>)
        tpu.yield
      }) : () -> ()
      %scan3A_34 = arith.constant 0 : i32
      %scan3A_35 = arith.constant 0 : i32
      %scan3A_36 = arith.constant 625 : i32
      %scan3A_37 = arith.addi %scan3A_35, %scan3A_36 : i32
      %scan3A_38 = arith.constant 1 : i32
      scf.for %scan3A_40 = %scan3A_35 to %scan3A_37 step %scan3A_38  : i32 {
        %mul3A_41 = arith.constant 16 : i32
        %mul3A_42 = arith.muli %scan3A_40, %mul3A_41 : i32
        %multiple_of3A = tpu.assume_multiple %mul3A_42, 16 : i32
        %get3A = arith.index_cast %multiple_of3A : i32 to index
        %get3A_43 = tpu.vector_load %arg8[%get3A] {strides = array<i32>} : memref<10000xi32, #tpu.memory_space<vmem>>, vector<16xi32>,
        %get3A_44 = arith.index_cast %multiple_of3A : i32 to index
        %get3A_45 = tpu.vector_load %arg9[%get3A_44] {strides = array<i32>} : memref<10000xi32, #tpu.memory_space<vmem>>, vector<16xi32>,
        %broadcast_in_dim3A_46 = arith.constant 0 : i32
        %broadcast_in_dim3A_47 = vector.broadcast %broadcast_in_dim3A_46 : i32 to vector<16xi32>
        %gather3A = tpu.vector_load_idx %arg6[%broadcast_in_dim3A_47, %get3A_43] : memref<4x10000xf32, #tpu.memory_space<vmem>>[vector<16xi32>, vector<16xi32>], vector<16xf32>,
        tpu.vector_store_idx %arg7[%broadcast_in_dim3A_47, %get3A_45], %gather3A {add = true} : memref<4x10000xf32, #tpu.memory_space<vmem>>[vector<16xi32>, vector<16xi32>], vector<16xf32>,
        %broadcast_in_dim3A_48 = arith.constant 1 : i32
        %broadcast_in_dim3A_49 = vector.broadcast %broadcast_in_dim3A_48 : i32 to vector<16xi32>
        %gather3A_50 = tpu.vector_load_idx %arg6[%broadcast_in_dim3A_49, %get3A_43] : memref<4x10000xf32, #tpu.memory_space<vmem>>[vector<16xi32>, vector<16xi32>], vector<16xf32>,
        tpu.vector_store_idx %arg7[%broadcast_in_dim3A_49, %get3A_45], %gather3A_50 {add = true} : memref<4x10000xf32, #tpu.memory_space<vmem>>[vector<16xi32>, vector<16xi32>], vector<16xf32>,
        %broadcast_in_dim3A_51 = arith.constant 2 : i32
        %broadcast_in_dim3A_52 = vector.broadcast %broadcast_in_dim3A_51 : i32 to vector<16xi32>
        %gather3A_53 = tpu.vector_load_idx %arg6[%broadcast_in_dim3A_52, %get3A_43] : memref<4x10000xf32, #tpu.memory_space<vmem>>[vector<16xi32>, vector<16xi32>], vector<16xf32>,
        tpu.vector_store_idx %arg7[%broadcast_in_dim3A_52, %get3A_45], %gather3A_53 {add = true} : memref<4x10000xf32, #tpu.memory_space<vmem>>[vector<16xi32>, vector<16xi32>], vector<16xf32>,
        %broadcast_in_dim3A_54 = arith.constant 3 : i32
        %broadcast_in_dim3A_55 = vector.broadcast %broadcast_in_dim3A_54 : i32 to vector<16xi32>
        %gather3A_56 = tpu.vector_load_idx %arg6[%broadcast_in_dim3A_55, %get3A_43] : memref<4x10000xf32, #tpu.memory_space<vmem>>[vector<16xi32>, vector<16xi32>], vector<16xf32>,
        tpu.vector_store_idx %arg7[%broadcast_in_dim3A_55, %get3A_45], %gather3A_56 {add = true} : memref<4x10000xf32, #tpu.memory_space<vmem>>[vector<16xi32>, vector<16xi32>], vector<16xf32>,
      }
      %scan3A_39 = arith.constant 625 : i32
    }
    %scan3A_26 = arith.constant 2 : i32
    "tpu.region"() ({
      %run_scoped3A = tpu.sem_alloc : memref<!tpu.dma_semaphore, #tpu.memory_space<semaphore_mem>>
      %dma_start3A = arith.constant 4 : i32
      %dma_start3A_27 = arith.constant 0 : i32
      %dma_start3A_28 = tpu.memref_slice %arg5[%add3A, %dma_start3A, %dma_start3A_27] : memref<32x8x10000xf32, #tpu.memory_space<hbm>> -> memref<1x4x10000xf32, #tpu.memory_space<hbm>>
      %dma_start3A_29 = tpu.memref_squeeze %dma_start3A_28 : memref<1x4x10000xf32, #tpu.memory_space<hbm>> -> memref<4x10000xf32, #tpu.memory_space<hbm>>
      %dma_start3A_30 = arith.constant 4 : i32
      %dma_start3A_31 = arith.constant 0 : i32
      %dma_start3A_32 = tpu.memref_slice %arg5[%add3A, %dma_start3A_30, %dma_start3A_31] : memref<32x8x10000xf32, #tpu.memory_space<hbm>> -> memref<1x4x10000xf32, #tpu.memory_space<hbm>>
      %dma_start3A_33 = tpu.memref_squeeze %dma_start3A_32 : memref<1x4x10000xf32, #tpu.memory_space<hbm>> -> memref<4x10000xf32, #tpu.memory_space<hbm>>
      tpu.enqueue_dma source(%arg7 : memref<4x10000xf32, #tpu.memory_space<vmem>>) target(%dma_start3A_33 : memref<4x10000xf32, #tpu.memory_space<hbm>>) target_semaphore(%run_scoped3A : memref<!tpu.dma_semaphore, #tpu.memory_space<semaphore_mem>>)
      %dma_wait3A = arith.constant 4 : i32
      %dma_wait3A_34 = arith.constant 0 : i32
      %dma_wait3A_35 = tpu.memref_slice %arg5[%add3A, %dma_wait3A, %dma_wait3A_34] : memref<32x8x10000xf32, #tpu.memory_space<hbm>> -> memref<1x4x10000xf32, #tpu.memory_space<hbm>>
      %dma_wait3A_36 = tpu.memref_squeeze %dma_wait3A_35 : memref<1x4x10000xf32, #tpu.memory_space<hbm>> -> memref<4x10000xf32, #tpu.memory_space<hbm>>
      %dma_wait3A_37 = arith.constant 4 : i32
      %dma_wait3A_38 = arith.constant 0 : i32
      %dma_wait3A_39 = tpu.memref_slice %arg5[%add3A, %dma_wait3A_37, %dma_wait3A_38] : memref<32x8x10000xf32, #tpu.memory_space<hbm>> -> memref<1x4x10000xf32, #tpu.memory_space<hbm>>
      %dma_wait3A_40 = tpu.memref_squeeze %dma_wait3A_39 : memref<1x4x10000xf32, #tpu.memory_space<hbm>> -> memref<4x10000xf32, #tpu.memory_space<hbm>>
      tpu.wait_dma2 semaphore(%run_scoped3A : memref<!tpu.dma_semaphore, #tpu.memory_space<semaphore_mem>>) src(%arg7 : memref<4x10000xf32, #tpu.memory_space<vmem>>) dst(%dma_wait3A_40 : memref<4x10000xf32, #tpu.memory_space<hbm>>)
      tpu.yield
    }) : () -> ()
    return
  }
}

#map = affine_map<(d0, d1) -> (0)>
#map1 = affine_map<(d0, d1) -> (0, 0)>
module attributes {stable_mosaic.version = 14 : i64} {
  func.func @_sc_scatter1(%arg0: i32, %arg1: i32, %arg2: memref<10000xf32, #tpu.memory_space<hbm>>, %arg3: memref<640000xi32, #tpu.memory_space<hbm>>, %arg4: memref<640000xi32, #tpu.memory_space<hbm>>, %arg5: memref<32x10000xf32, #tpu.memory_space<hbm>>, %arg6: memref<10000xf32, #tpu.memory_space<vmem>>, %arg7: memref<10000xf32, #tpu.memory_space<vmem>>, %arg8: memref<10000xi32, #tpu.memory_space<vmem>>, %arg9: memref<10000xi32, #tpu.memory_space<vmem>>) attributes {dimension_semantics = [#tpu.dimension_semantics<core_parallel>, #tpu.dimension_semantics<subcore_parallel>], iteration_bounds = array<i64: 2, 16>, scalar_prefetch = 0 : i64, scratch_operands = 4 : i64, tpu.core_type = #tpu.core_type<sc_vector_subcore>, window_params = [{transform_indices = #map}, {transform_indices = #map}, {transform_indices = #map}, {transform_indices = #map1}]} {
    %mul3A = arith.constant 2 : i32
    %mul3A_0 = arith.muli %arg1, %mul3A : i32
    %add3A = arith.addi %mul3A_0, %arg0 : i32
    %mul3A_1 = arith.constant 20000 : i32
    %mul3A_2 = arith.muli %add3A, %mul3A_1 : i32
    "tpu.region"() ({
      %run_scoped3A = tpu.sem_alloc : memref<!tpu.dma_semaphore, #tpu.memory_space<semaphore_mem>>
      tpu.enqueue_dma source(%arg2 : memref<10000xf32, #tpu.memory_space<hbm>>) target(%arg6 : memref<10000xf32, #tpu.memory_space<vmem>>) target_semaphore(%run_scoped3A : memref<!tpu.dma_semaphore, #tpu.memory_space<semaphore_mem>>)
      tpu.wait_dma2 semaphore(%run_scoped3A : memref<!tpu.dma_semaphore, #tpu.memory_space<semaphore_mem>>) src(%arg2 : memref<10000xf32, #tpu.memory_space<hbm>>) dst(%arg6 : memref<10000xf32, #tpu.memory_space<vmem>>)
      tpu.yield
    }) : () -> ()
    %broadcast_in_dim3A = arith.constant 0.000000e+00 : f32
    %broadcast_in_dim3A_3 = vector.broadcast %broadcast_in_dim3A : f32 to vector<16xf32>
    %scan3A = arith.constant 0 : i32
    %scan3A_4 = arith.constant 0 : i32
    %scan3A_5 = arith.constant 625 : i32
    %scan3A_6 = arith.addi %scan3A_4, %scan3A_5 : i32
    %scan3A_7 = arith.constant 1 : i32
    scf.for %scan3A_15 = %scan3A_4 to %scan3A_6 step %scan3A_7  : i32 {
      %mul3A_16 = arith.constant 16 : i32
      %mul3A_17 = arith.muli %scan3A_15, %mul3A_16 : i32
      %multiple_of3A = tpu.assume_multiple %mul3A_17, 16 : i32
      %swap3A = arith.index_cast %multiple_of3A : i32 to index
      %swap3A_18 = tpu.vector_load %arg7[%swap3A] {strides = array<i32>} : memref<10000xf32, #tpu.memory_space<vmem>>, vector<16xf32>,
      tpu.vector_store %arg7[%swap3A], %broadcast_in_dim3A_3 {strides = array<i32>} : memref<10000xf32, #tpu.memory_space<vmem>>, vector<16xf32>,
    }
    %scan3A_8 = arith.constant 625 : i32
    %scan3A_9 = arith.constant 0 : i32
    %scan3A_10 = arith.constant 0 : i32
    %scan3A_11 = arith.constant 2 : i32
    %scan3A_12 = arith.addi %scan3A_10, %scan3A_11 : i32
    %scan3A_13 = arith.constant 1 : i32
    scf.for %scan3A_15 = %scan3A_10 to %scan3A_12 step %scan3A_13  : i32 {
      %mul3A_16 = arith.constant 10000 : i32
      %mul3A_17 = arith.muli %scan3A_15, %mul3A_16 : i32
      %add3A_18 = arith.addi %mul3A_2, %mul3A_17 : i32
      "tpu.region"() ({
        %run_scoped3A = tpu.sem_alloc : memref<!tpu.dma_semaphore, #tpu.memory_space<semaphore_mem>>
        %dma_start3A = tpu.memref_slice %arg3[%add3A_18] : memref<640000xi32, #tpu.memory_space<hbm>> -> memref<10000xi32, #tpu.memory_space<hbm>>
        %dma_start3A_28 = tpu.memref_slice %arg3[%add3A_18] : memref<640000xi32, #tpu.memory_space<hbm>> -> memref<10000xi32, #tpu.memory_space<hbm>>
        tpu.enqueue_dma source(%dma_start3A_28 : memref<10000xi32, #tpu.memory_space<hbm>>) target(%arg8 : memref<10000xi32, #tpu.memory_space<vmem>>) target_semaphore(%run_scoped3A : memref<!tpu.dma_semaphore, #tpu.memory_space<semaphore_mem>>)
        %dma_wait3A = tpu.memref_slice %arg3[%add3A_18] : memref<640000xi32, #tpu.memory_space<hbm>> -> memref<10000xi32, #tpu.memory_space<hbm>>
        %dma_wait3A_29 = tpu.memref_slice %arg3[%add3A_18] : memref<640000xi32, #tpu.memory_space<hbm>> -> memref<10000xi32, #tpu.memory_space<hbm>>
        tpu.wait_dma2 semaphore(%run_scoped3A : memref<!tpu.dma_semaphore, #tpu.memory_space<semaphore_mem>>) src(%dma_wait3A_29 : memref<10000xi32, #tpu.memory_space<hbm>>) dst(%arg8 : memref<10000xi32, #tpu.memory_space<vmem>>)
        tpu.yield
      }) : () -> ()
      %mul3A_19 = arith.constant 10000 : i32
      %mul3A_20 = arith.muli %scan3A_15, %mul3A_19 : i32
      %add3A_21 = arith.addi %mul3A_2, %mul3A_20 : i32
      "tpu.region"() ({
        %run_scoped3A = tpu.sem_alloc : memref<!tpu.dma_semaphore, #tpu.memory_space<semaphore_mem>>
        %dma_start3A = tpu.memref_slice %arg4[%add3A_21] : memref<640000xi32, #tpu.memory_space<hbm>> -> memref<10000xi32, #tpu.memory_space<hbm>>
        %dma_start3A_28 = tpu.memref_slice %arg4[%add3A_21] : memref<640000xi32, #tpu.memory_space<hbm>> -> memref<10000xi32, #tpu.memory_space<hbm>>
        tpu.enqueue_dma source(%dma_start3A_28 : memref<10000xi32, #tpu.memory_space<hbm>>) target(%arg9 : memref<10000xi32, #tpu.memory_space<vmem>>) target_semaphore(%run_scoped3A : memref<!tpu.dma_semaphore, #tpu.memory_space<semaphore_mem>>)
        %dma_wait3A = tpu.memref_slice %arg4[%add3A_21] : memref<640000xi32, #tpu.memory_space<hbm>> -> memref<10000xi32, #tpu.memory_space<hbm>>
        %dma_wait3A_29 = tpu.memref_slice %arg4[%add3A_21] : memref<640000xi32, #tpu.memory_space<hbm>> -> memref<10000xi32, #tpu.memory_space<hbm>>
        tpu.wait_dma2 semaphore(%run_scoped3A : memref<!tpu.dma_semaphore, #tpu.memory_space<semaphore_mem>>) src(%dma_wait3A_29 : memref<10000xi32, #tpu.memory_space<hbm>>) dst(%arg9 : memref<10000xi32, #tpu.memory_space<vmem>>)
        tpu.yield
      }) : () -> ()
      %scan3A_22 = arith.constant 0 : i32
      %scan3A_23 = arith.constant 0 : i32
      %scan3A_24 = arith.constant 625 : i32
      %scan3A_25 = arith.addi %scan3A_23, %scan3A_24 : i32
      %scan3A_26 = arith.constant 1 : i32
      scf.for %scan3A_28 = %scan3A_23 to %scan3A_25 step %scan3A_26  : i32 {
        %mul3A_29 = arith.constant 16 : i32
        %mul3A_30 = arith.muli %scan3A_28, %mul3A_29 : i32
        %multiple_of3A = tpu.assume_multiple %mul3A_30, 16 : i32
        %get3A = arith.index_cast %multiple_of3A : i32 to index
        %get3A_31 = tpu.vector_load %arg8[%get3A] {strides = array<i32>} : memref<10000xi32, #tpu.memory_space<vmem>>, vector<16xi32>,
        %get3A_32 = arith.index_cast %multiple_of3A : i32 to index
        %get3A_33 = tpu.vector_load %arg9[%get3A_32] {strides = array<i32>} : memref<10000xi32, #tpu.memory_space<vmem>>, vector<16xi32>,
        %gather3A = tpu.vector_load_idx %arg6[%get3A_31] : memref<10000xf32, #tpu.memory_space<vmem>>[vector<16xi32>], vector<16xf32>,
        tpu.vector_store_idx %arg7[%get3A_33], %gather3A {add = true} : memref<10000xf32, #tpu.memory_space<vmem>>[vector<16xi32>], vector<16xf32>,
      }
      %scan3A_27 = arith.constant 625 : i32
    }
    %scan3A_14 = arith.constant 2 : i32
    "tpu.region"() ({
      %run_scoped3A = tpu.sem_alloc : memref<!tpu.dma_semaphore, #tpu.memory_space<semaphore_mem>>
      %dma_start3A = arith.constant 0 : i32
      %dma_start3A_15 = tpu.memref_slice %arg5[%add3A, %dma_start3A] : memref<32x10000xf32, #tpu.memory_space<hbm>> -> memref<1x10000xf32, #tpu.memory_space<hbm>>
      %dma_start3A_16 = tpu.memref_squeeze %dma_start3A_15 : memref<1x10000xf32, #tpu.memory_space<hbm>> -> memref<10000xf32, #tpu.memory_space<hbm>>
      %dma_start3A_17 = arith.constant 0 : i32
      %dma_start3A_18 = tpu.memref_slice %arg5[%add3A, %dma_start3A_17] : memref<32x10000xf32, #tpu.memory_space<hbm>> -> memref<1x10000xf32, #tpu.memory_space<hbm>>
      %dma_start3A_19 = tpu.memref_squeeze %dma_start3A_18 : memref<1x10000xf32, #tpu.memory_space<hbm>> -> memref<10000xf32, #tpu.memory_space<hbm>>
      tpu.enqueue_dma source(%arg7 : memref<10000xf32, #tpu.memory_space<vmem>>) target(%dma_start3A_19 : memref<10000xf32, #tpu.memory_space<hbm>>) target_semaphore(%run_scoped3A : memref<!tpu.dma_semaphore, #tpu.memory_space<semaphore_mem>>)
      %dma_wait3A = arith.constant 0 : i32
      %dma_wait3A_20 = tpu.memref_slice %arg5[%add3A, %dma_wait3A] : memref<32x10000xf32, #tpu.memory_space<hbm>> -> memref<1x10000xf32, #tpu.memory_space<hbm>>
      %dma_wait3A_21 = tpu.memref_squeeze %dma_wait3A_20 : memref<1x10000xf32, #tpu.memory_space<hbm>> -> memref<10000xf32, #tpu.memory_space<hbm>>
      %dma_wait3A_22 = arith.constant 0 : i32
      %dma_wait3A_23 = tpu.memref_slice %arg5[%add3A, %dma_wait3A_22] : memref<32x10000xf32, #tpu.memory_space<hbm>> -> memref<1x10000xf32, #tpu.memory_space<hbm>>
      %dma_wait3A_24 = tpu.memref_squeeze %dma_wait3A_23 : memref<1x10000xf32, #tpu.memory_space<hbm>> -> memref<10000xf32, #tpu.memory_space<hbm>>
      tpu.wait_dma2 semaphore(%run_scoped3A : memref<!tpu.dma_semaphore, #tpu.memory_space<semaphore_mem>>) src(%arg7 : memref<10000xf32, #tpu.memory_space<vmem>>) dst(%dma_wait3A_24 : memref<10000xf32, #tpu.memory_space<hbm>>)
      tpu.yield
    }) : () -> ()
    return
  }
}

module attributes {stable_mosaic.version = 14 : i64} {
  func.func @_tc_dense(%arg0: memref<32x10000xf32, #tpu.memory_space<vmem>>, %arg1: memref<1x10000xf32, #tpu.memory_space<vmem>>, %arg2: memref<32x1xf32, #tpu.memory_space<vmem>>, %arg3: memref<32x1xf32, #tpu.memory_space<vmem>>, %arg4: memref<32x1xf32, #tpu.memory_space<vmem>>, %arg5: memref<8x32xf32, #tpu.memory_space<vmem>>, %arg6: memref<8x32xf32, #tpu.memory_space<vmem>>, %arg7: memref<8x10000xf32, #tpu.memory_space<vmem>>, %arg8: memref<8x10000xf32, #tpu.memory_space<vmem>>) attributes {dimension_semantics = [], scalar_prefetch = 0 : i64, scratch_operands = 0 : i64, tpu.core_type = #tpu.core_type<tc>} {
    %get3A = arith.constant 0 : index
    %get3A_0 = arith.constant 0 : index
    %get3A_1 = vector.load %arg0[%get3A, %get3A_0] : memref<32x10000xf32, #tpu.memory_space<vmem>>, vector<32x10000xf32>
    %reduce_sum3A = arith.constant dense<0.000000e+00> : vector<10000xf32>
    %reduce_sum3A_2 = vector.multi_reduction <add>, %get3A_1, %reduce_sum3A [0] : vector<32x10000xf32> to vector<10000xf32>
    %broadcast_in_dim3A = vector.shape_cast %reduce_sum3A_2 : vector<10000xf32> to vector<1x10000xf32>
    %get3A_3 = arith.constant 0 : index
    %get3A_4 = arith.constant 0 : index
    %get3A_5 = vector.load %arg2[%get3A_3, %get3A_4] : memref<32x1xf32, #tpu.memory_space<vmem>>, vector<32x1xf32>
    %mul3A = vector.broadcast %get3A_5 : vector<32x1xf32> to vector<32x10000xf32>
    %mul3A_6 = vector.broadcast %broadcast_in_dim3A : vector<1x10000xf32> to vector<32x10000xf32>
    %mul3A_7 = arith.mulf %mul3A, %mul3A_6 : vector<32x10000xf32>
    %get3A_8 = arith.constant 0 : index
    %get3A_9 = arith.constant 0 : index
    %get3A_10 = vector.load %arg3[%get3A_8, %get3A_9] : memref<32x1xf32, #tpu.memory_space<vmem>>, vector<32x1xf32>
    %get3A_11 = arith.constant 0 : index
    %get3A_12 = arith.constant 0 : index
    %get3A_13 = vector.load %arg1[%get3A_11, %get3A_12] : memref<1x10000xf32, #tpu.memory_space<vmem>>, vector<1x10000xf32>
    %mul3A_14 = vector.broadcast %get3A_10 : vector<32x1xf32> to vector<32x10000xf32>
    %mul3A_15 = vector.broadcast %get3A_13 : vector<1x10000xf32> to vector<32x10000xf32>
    %mul3A_16 = arith.mulf %mul3A_14, %mul3A_15 : vector<32x10000xf32>
    %add3A = arith.addf %mul3A_7, %mul3A_16 : vector<32x10000xf32>
    %get3A_17 = arith.constant 0 : index
    %get3A_18 = arith.constant 0 : index
    %get3A_19 = vector.load %arg4[%get3A_17, %get3A_18] : memref<32x1xf32, #tpu.memory_space<vmem>>, vector<32x1xf32>
    %add3A_20 = vector.broadcast %get3A_19 : vector<32x1xf32> to vector<32x10000xf32>
    %add3A_21 = arith.addf %add3A, %add3A_20 : vector<32x10000xf32>
    %max3A = arith.constant 0.000000e+00 : f32
    %max3A_22 = vector.broadcast %max3A : f32 to vector<32x10000xf32>
    %max3A_23 = arith.maximumf %add3A_21, %max3A_22 : vector<32x10000xf32>
    %get3A_24 = arith.constant 0 : index
    %get3A_25 = arith.constant 0 : index
    %get3A_26 = vector.load %arg5[%get3A_24, %get3A_25] : memref<8x32xf32, #tpu.memory_space<vmem>>, vector<8x32xf32>
    %dot_general3A = arith.constant dense<0.000000e+00> : vector<8x10000xf32>
    %dot_general3A_27 = tpu.matmul %get3A_26, %max3A_23, %dot_general3A {dimension_numbers = #tpu.dot_dimension_numbers<[1], [0], [0], [1], [0, 0, 1, 1], [], []>, transpose_lhs_hint = false} : vector<8x32xf32>, vector<32x10000xf32>, vector<8x10000xf32> -> vector<8x10000xf32>
    %swap3A = arith.constant 0 : index
    %swap3A_28 = arith.constant 0 : index
    %swap3A_29 = vector.load %arg7[%swap3A, %swap3A_28] : memref<8x10000xf32, #tpu.memory_space<vmem>>, vector<8x10000xf32>
    tpu.vector_store %arg7[%swap3A, %swap3A_28], %dot_general3A_27 {strides = array<i32>} : memref<8x10000xf32, #tpu.memory_space<vmem>>, vector<8x10000xf32>,
    %get3A_30 = arith.constant 0 : index
    %get3A_31 = arith.constant 0 : index
    %get3A_32 = vector.load %arg6[%get3A_30, %get3A_31] : memref<8x32xf32, #tpu.memory_space<vmem>>, vector<8x32xf32>
    %dot_general3A_33 = arith.constant dense<0.000000e+00> : vector<8x10000xf32>
    %dot_general3A_34 = tpu.matmul %get3A_32, %max3A_23, %dot_general3A_33 {dimension_numbers = #tpu.dot_dimension_numbers<[1], [0], [0], [1], [0, 0, 1, 1], [], []>, transpose_lhs_hint = false} : vector<8x32xf32>, vector<32x10000xf32>, vector<8x10000xf32> -> vector<8x10000xf32>
    %swap3A_35 = arith.constant 0 : index
    %swap3A_36 = arith.constant 0 : index
    %swap3A_37 = vector.load %arg8[%swap3A_35, %swap3A_36] : memref<8x10000xf32, #tpu.memory_space<vmem>>, vector<8x10000xf32>
    tpu.vector_store %arg8[%swap3A_35, %swap3A_36], %dot_general3A_34 {strides = array<i32>} : memref<8x10000xf32, #tpu.memory_space<vmem>>, vector<8x10000xf32>,
    return
  }
}

module attributes {stable_mosaic.version = 14 : i64} {
  func.func @_tc_lstm(%arg0: memref<32x8x10000xf32, #tpu.memory_space<vmem>>, %arg1: memref<8x10000xf32, #tpu.memory_space<vmem>>, %arg2: memref<8x1xf32, #tpu.memory_space<vmem>>, %arg3: memref<8x512xf32, #tpu.memory_space<vmem>>, %arg4: memref<1x512xf32, #tpu.memory_space<vmem>>, %arg5: memref<64x512xf32, #tpu.memory_space<vmem>>, %arg6: memref<64x1xf32, #tpu.memory_space<vmem>>, %arg7: memref<1x15xf32, #tpu.memory_space<vmem>>, %arg8: memref<1x15xf32, #tpu.memory_space<vmem>>, %arg9: memref<10000x1xf32, #tpu.memory_space<vmem>>, %arg10: memref<10000x512xf32, #tpu.memory_space<vmem>>, %arg11: memref<10000x64xf32, #tpu.memory_space<vmem>>) attributes {dimension_semantics = [], scalar_prefetch = 0 : i64, scratch_operands = 2 : i64, tpu.core_type = #tpu.core_type<tc>} {
    %get3A = arith.constant 0 : index
    %get3A_0 = arith.constant 0 : index
    %get3A_1 = arith.constant 0 : index
    %get3A_2 = vector.load %arg0[%get3A, %get3A_0, %get3A_1] : memref<32x8x10000xf32, #tpu.memory_space<vmem>>, vector<32x8x10000xf32>
    %reduce_sum3A = arith.constant dense<0.000000e+00> : vector<8x10000xf32>
    %reduce_sum3A_3 = vector.multi_reduction <add>, %get3A_2, %reduce_sum3A [0] : vector<32x8x10000xf32> to vector<8x10000xf32>
    %get3A_4 = arith.constant 0 : index
    %get3A_5 = arith.constant 0 : index
    %get3A_6 = vector.load %arg1[%get3A_4, %get3A_5] : memref<8x10000xf32, #tpu.memory_space<vmem>>, vector<8x10000xf32>
    %add3A = arith.addf %reduce_sum3A_3, %get3A_6 : vector<8x10000xf32>
    %get3A_7 = arith.constant 0 : index
    %get3A_8 = arith.constant 0 : index
    %get3A_9 = vector.load %arg2[%get3A_7, %get3A_8] : memref<8x1xf32, #tpu.memory_space<vmem>>, vector<8x1xf32>
    %add3A_10 = vector.broadcast %get3A_9 : vector<8x1xf32> to vector<8x10000xf32>
    %add3A_11 = arith.addf %add3A, %add3A_10 : vector<8x10000xf32>
    %get3A_12 = arith.constant 0 : index
    %get3A_13 = arith.constant 0 : index
    %get3A_14 = vector.load %arg3[%get3A_12, %get3A_13] : memref<8x512xf32, #tpu.memory_space<vmem>>, vector<8x512xf32>
    %dot_general3A = arith.constant dense<0.000000e+00> : vector<10000x512xf32>
    %dot_general3A_15 = tpu.matmul %add3A_11, %get3A_14, %dot_general3A {dimension_numbers = #tpu.dot_dimension_numbers<[0], [0], [1], [1], [0, 1, 1, 1], [], []>, transpose_lhs_hint = false} : vector<8x10000xf32>, vector<8x512xf32>, vector<10000x512xf32> -> vector<10000x512xf32>
    %get3A_16 = arith.constant 0 : index
    %get3A_17 = arith.constant 0 : index
    %get3A_18 = vector.load %arg4[%get3A_16, %get3A_17] : memref<1x512xf32, #tpu.memory_space<vmem>>, vector<1x512xf32>
    %add3A_19 = vector.broadcast %get3A_18 : vector<1x512xf32> to vector<10000x512xf32>
    %add3A_20 = arith.addf %dot_general3A_15, %add3A_19 : vector<10000x512xf32>
    %swap3A = arith.constant 0 : index
    %swap3A_21 = arith.constant 0 : index
    %swap3A_22 = vector.load %arg10[%swap3A, %swap3A_21] : memref<10000x512xf32, #tpu.memory_space<vmem>>, vector<10000x512xf32>
    tpu.vector_store %arg10[%swap3A, %swap3A_21], %add3A_20 {strides = array<i32>} : memref<10000x512xf32, #tpu.memory_space<vmem>>, vector<10000x512xf32>,
    %get3A_23 = arith.constant 0 : index
    %get3A_24 = arith.constant 0 : index
    %get3A_25 = vector.load %arg5[%get3A_23, %get3A_24] : memref<64x512xf32, #tpu.memory_space<vmem>>, vector<64x512xf32>
    %iota3A = tpu.iota {dimensions = array<i32: 1>} : vector<1x128xi32>
    %lt3A = arith.constant 64 : i32
    %lt3A_26 = vector.broadcast %lt3A : i32 to vector<1x128xi32>
    %lt3A_27 = arith.cmpi slt, %iota3A, %lt3A_26 : vector<1x128xi32>
    %broadcast_in_dim3A = arith.constant 0.000000e+00 : f32
    %broadcast_in_dim3A_28 = vector.broadcast %broadcast_in_dim3A : f32 to vector<1x128xf32>
    %scan3A = arith.constant 0 : i32
    %scan3A_29 = arith.constant 10000 : i32
    %scan3A_30 = arith.addi %scan3A, %scan3A_29 : i32
    %scan3A_31 = arith.constant 8 : i32
    %scan3A_32:2 = scf.for %scan3A_58 = %scan3A to %scan3A_30 step %scan3A_31 iter_args(%scan3A_59 = %broadcast_in_dim3A_28, %scan3A_60 = %broadcast_in_dim3A_28) -> (vector<1x128xf32>, vector<1x128xf32>)  : i32 {
      %slice3A = vector.extract_strided_slice %scan3A_59 {offsets = [0, 0], sizes = [1, 64], strides = [1, 1]} : vector<1x128xf32> to vector<1x64xf32>
      %dot_general3A_61 = arith.constant dense<0.000000e+00> : vector<1x512xf32>
      %dot_general3A_62 = tpu.matmul %slice3A, %get3A_25, %dot_general3A_61 {dimension_numbers = #tpu.dot_dimension_numbers<[1], [0], [0], [1], [0, 0, 1, 1], [], []>, transpose_lhs_hint = false} : vector<1x64xf32>, vector<64x512xf32>, vector<1x512xf32> -> vector<1x512xf32>
      %get3A_63 = arith.index_cast %scan3A_58 : i32 to index
      %get3A_64 = arith.constant 0 : index
      %get3A_65 = vector.load %arg10[%get3A_63, %get3A_64] : memref<10000x512xf32, #tpu.memory_space<vmem>>, vector<1x512xf32>
      %add3A_66 = arith.addf %dot_general3A_62, %get3A_65 : vector<1x512xf32>
      %tanh3A = math.tanh %add3A_66 : vector<1x512xf32>
      %mul3A_67 = arith.constant 5.000000e-01 : f32
      %mul3A_68 = vector.broadcast %mul3A_67 : f32 to vector<1x512xf32>
      %mul3A_69 = arith.mulf %mul3A_68, %tanh3A : vector<1x512xf32>
      %add3A_70 = arith.constant 5.000000e-01 : f32
      %add3A_71 = vector.broadcast %add3A_70 : f32 to vector<1x512xf32>
      %add3A_72 = arith.addf %mul3A_69, %add3A_71 : vector<1x512xf32>
      %slice3A_73 = vector.extract_strided_slice %tanh3A {offsets = [0, 256], sizes = [1, 128], strides = [1, 1]} : vector<1x512xf32> to vector<1x128xf32>
      %slice3A_74 = vector.extract_strided_slice %tanh3A {offsets = [0, 384], sizes = [1, 128], strides = [1, 1]} : vector<1x512xf32> to vector<1x128xf32>
      %slice3A_75 = vector.extract_strided_slice %add3A_72 {offsets = [0, 0], sizes = [1, 128], strides = [1, 1]} : vector<1x512xf32> to vector<1x128xf32>
      %slice3A_76 = vector.extract_strided_slice %add3A_72 {offsets = [0, 128], sizes = [1, 128], strides = [1, 1]} : vector<1x512xf32> to vector<1x128xf32>
      %slice3A_77 = vector.extract_strided_slice %add3A_72 {offsets = [0, 256], sizes = [1, 128], strides = [1, 1]} : vector<1x512xf32> to vector<1x128xf32>
      %slice3A_78 = vector.extract_strided_slice %add3A_72 {offsets = [0, 384], sizes = [1, 128], strides = [1, 1]} : vector<1x512xf32> to vector<1x128xf32>
      %select_n3A = arith.select %lt3A_27, %slice3A_73, %scan3A_60 : vector<1x128xi1>, vector<1x128xf32>
      %mul3A_79 = arith.mulf %slice3A_75, %select_n3A : vector<1x128xf32>
      %select_n3A_80 = arith.select %lt3A_27, %scan3A_60, %slice3A_74 : vector<1x128xi1>, vector<1x128xf32>
      %mul3A_81 = arith.mulf %slice3A_76, %select_n3A_80 : vector<1x128xf32>
      %add3A_82 = arith.addf %mul3A_79, %mul3A_81 : vector<1x128xf32>
      %select_n3A_83 = arith.select %lt3A_27, %slice3A_78, %slice3A_77 : vector<1x128xi1>, vector<1x128xf32>
      %tanh3A_84 = math.tanh %add3A_82 : vector<1x128xf32>
      %mul3A_85 = arith.mulf %select_n3A_83, %tanh3A_84 : vector<1x128xf32>
      %slice3A_86 = vector.extract_strided_slice %mul3A_85 {offsets = [0, 0], sizes = [1, 64], strides = [1, 1]} : vector<1x128xf32> to vector<1x64xf32>
      %swap3A_87 = arith.index_cast %scan3A_58 : i32 to index
      %swap3A_88 = arith.constant 0 : index
      %swap3A_89 = vector.load %arg11[%swap3A_87, %swap3A_88] : memref<10000x64xf32, #tpu.memory_space<vmem>>, vector<1x64xf32>
      tpu.vector_store %arg11[%swap3A_87, %swap3A_88], %slice3A_86 {strides = array<i32>} : memref<10000x64xf32, #tpu.memory_space<vmem>>, vector<1x64xf32>,
      %scan3A_90 = arith.constant 1 : i32
      %scan3A_91 = arith.addi %scan3A_58, %scan3A_90 : i32
      %slice3A_92 = vector.extract_strided_slice %mul3A_85 {offsets = [0, 0], sizes = [1, 64], strides = [1, 1]} : vector<1x128xf32> to vector<1x64xf32>
      %dot_general3A_93 = arith.constant dense<0.000000e+00> : vector<1x512xf32>
      %dot_general3A_94 = tpu.matmul %slice3A_92, %get3A_25, %dot_general3A_93 {dimension_numbers = #tpu.dot_dimension_numbers<[1], [0], [0], [1], [0, 0, 1, 1], [], []>, transpose_lhs_hint = false} : vector<1x64xf32>, vector<64x512xf32>, vector<1x512xf32> -> vector<1x512xf32>
      %get3A_95 = arith.index_cast %scan3A_91 : i32 to index
      %get3A_96 = arith.constant 0 : index
      %get3A_97 = vector.load %arg10[%get3A_95, %get3A_96] : memref<10000x512xf32, #tpu.memory_space<vmem>>, vector<1x512xf32>
      %add3A_98 = arith.addf %dot_general3A_94, %get3A_97 : vector<1x512xf32>
      %tanh3A_99 = math.tanh %add3A_98 : vector<1x512xf32>
      %mul3A_100 = arith.constant 5.000000e-01 : f32
      %mul3A_101 = vector.broadcast %mul3A_100 : f32 to vector<1x512xf32>
      %mul3A_102 = arith.mulf %mul3A_101, %tanh3A_99 : vector<1x512xf32>
      %add3A_103 = arith.constant 5.000000e-01 : f32
      %add3A_104 = vector.broadcast %add3A_103 : f32 to vector<1x512xf32>
      %add3A_105 = arith.addf %mul3A_102, %add3A_104 : vector<1x512xf32>
      %slice3A_106 = vector.extract_strided_slice %tanh3A_99 {offsets = [0, 256], sizes = [1, 128], strides = [1, 1]} : vector<1x512xf32> to vector<1x128xf32>
      %slice3A_107 = vector.extract_strided_slice %tanh3A_99 {offsets = [0, 384], sizes = [1, 128], strides = [1, 1]} : vector<1x512xf32> to vector<1x128xf32>
      %slice3A_108 = vector.extract_strided_slice %add3A_105 {offsets = [0, 0], sizes = [1, 128], strides = [1, 1]} : vector<1x512xf32> to vector<1x128xf32>
      %slice3A_109 = vector.extract_strided_slice %add3A_105 {offsets = [0, 128], sizes = [1, 128], strides = [1, 1]} : vector<1x512xf32> to vector<1x128xf32>
      %slice3A_110 = vector.extract_strided_slice %add3A_105 {offsets = [0, 256], sizes = [1, 128], strides = [1, 1]} : vector<1x512xf32> to vector<1x128xf32>
      %slice3A_111 = vector.extract_strided_slice %add3A_105 {offsets = [0, 384], sizes = [1, 128], strides = [1, 1]} : vector<1x512xf32> to vector<1x128xf32>
      %select_n3A_112 = arith.select %lt3A_27, %slice3A_106, %add3A_82 : vector<1x128xi1>, vector<1x128xf32>
      %mul3A_113 = arith.mulf %slice3A_108, %select_n3A_112 : vector<1x128xf32>
      %select_n3A_114 = arith.select %lt3A_27, %add3A_82, %slice3A_107 : vector<1x128xi1>, vector<1x128xf32>
      %mul3A_115 = arith.mulf %slice3A_109, %select_n3A_114 : vector<1x128xf32>
      %add3A_116 = arith.addf %mul3A_113, %mul3A_115 : vector<1x128xf32>
      %select_n3A_117 = arith.select %lt3A_27, %slice3A_111, %slice3A_110 : vector<1x128xi1>, vector<1x128xf32>
      %tanh3A_118 = math.tanh %add3A_116 : vector<1x128xf32>
      %mul3A_119 = arith.mulf %select_n3A_117, %tanh3A_118 : vector<1x128xf32>
      %slice3A_120 = vector.extract_strided_slice %mul3A_119 {offsets = [0, 0], sizes = [1, 64], strides = [1, 1]} : vector<1x128xf32> to vector<1x64xf32>
      %swap3A_121 = arith.index_cast %scan3A_91 : i32 to index
      %swap3A_122 = arith.constant 0 : index
      %swap3A_123 = vector.load %arg11[%swap3A_121, %swap3A_122] : memref<10000x64xf32, #tpu.memory_space<vmem>>, vector<1x64xf32>
      tpu.vector_store %arg11[%swap3A_121, %swap3A_122], %slice3A_120 {strides = array<i32>} : memref<10000x64xf32, #tpu.memory_space<vmem>>, vector<1x64xf32>,
      %scan3A_124 = arith.constant 2 : i32
      %scan3A_125 = arith.addi %scan3A_58, %scan3A_124 : i32
      %slice3A_126 = vector.extract_strided_slice %mul3A_119 {offsets = [0, 0], sizes = [1, 64], strides = [1, 1]} : vector<1x128xf32> to vector<1x64xf32>
      %dot_general3A_127 = arith.constant dense<0.000000e+00> : vector<1x512xf32>
      %dot_general3A_128 = tpu.matmul %slice3A_126, %get3A_25, %dot_general3A_127 {dimension_numbers = #tpu.dot_dimension_numbers<[1], [0], [0], [1], [0, 0, 1, 1], [], []>, transpose_lhs_hint = false} : vector<1x64xf32>, vector<64x512xf32>, vector<1x512xf32> -> vector<1x512xf32>
      %get3A_129 = arith.index_cast %scan3A_125 : i32 to index
      %get3A_130 = arith.constant 0 : index
      %get3A_131 = vector.load %arg10[%get3A_129, %get3A_130] : memref<10000x512xf32, #tpu.memory_space<vmem>>, vector<1x512xf32>
      %add3A_132 = arith.addf %dot_general3A_128, %get3A_131 : vector<1x512xf32>
      %tanh3A_133 = math.tanh %add3A_132 : vector<1x512xf32>
      %mul3A_134 = arith.constant 5.000000e-01 : f32
      %mul3A_135 = vector.broadcast %mul3A_134 : f32 to vector<1x512xf32>
      %mul3A_136 = arith.mulf %mul3A_135, %tanh3A_133 : vector<1x512xf32>
      %add3A_137 = arith.constant 5.000000e-01 : f32
      %add3A_138 = vector.broadcast %add3A_137 : f32 to vector<1x512xf32>
      %add3A_139 = arith.addf %mul3A_136, %add3A_138 : vector<1x512xf32>
      %slice3A_140 = vector.extract_strided_slice %tanh3A_133 {offsets = [0, 256], sizes = [1, 128], strides = [1, 1]} : vector<1x512xf32> to vector<1x128xf32>
      %slice3A_141 = vector.extract_strided_slice %tanh3A_133 {offsets = [0, 384], sizes = [1, 128], strides = [1, 1]} : vector<1x512xf32> to vector<1x128xf32>
      %slice3A_142 = vector.extract_strided_slice %add3A_139 {offsets = [0, 0], sizes = [1, 128], strides = [1, 1]} : vector<1x512xf32> to vector<1x128xf32>
      %slice3A_143 = vector.extract_strided_slice %add3A_139 {offsets = [0, 128], sizes = [1, 128], strides = [1, 1]} : vector<1x512xf32> to vector<1x128xf32>
      %slice3A_144 = vector.extract_strided_slice %add3A_139 {offsets = [0, 256], sizes = [1, 128], strides = [1, 1]} : vector<1x512xf32> to vector<1x128xf32>
      %slice3A_145 = vector.extract_strided_slice %add3A_139 {offsets = [0, 384], sizes = [1, 128], strides = [1, 1]} : vector<1x512xf32> to vector<1x128xf32>
      %select_n3A_146 = arith.select %lt3A_27, %slice3A_140, %add3A_116 : vector<1x128xi1>, vector<1x128xf32>
      %mul3A_147 = arith.mulf %slice3A_142, %select_n3A_146 : vector<1x128xf32>
      %select_n3A_148 = arith.select %lt3A_27, %add3A_116, %slice3A_141 : vector<1x128xi1>, vector<1x128xf32>
      %mul3A_149 = arith.mulf %slice3A_143, %select_n3A_148 : vector<1x128xf32>
      %add3A_150 = arith.addf %mul3A_147, %mul3A_149 : vector<1x128xf32>
      %select_n3A_151 = arith.select %lt3A_27, %slice3A_145, %slice3A_144 : vector<1x128xi1>, vector<1x128xf32>
      %tanh3A_152 = math.tanh %add3A_150 : vector<1x128xf32>
      %mul3A_153 = arith.mulf %select_n3A_151, %tanh3A_152 : vector<1x128xf32>
      %slice3A_154 = vector.extract_strided_slice %mul3A_153 {offsets = [0, 0], sizes = [1, 64], strides = [1, 1]} : vector<1x128xf32> to vector<1x64xf32>
      %swap3A_155 = arith.index_cast %scan3A_125 : i32 to index
      %swap3A_156 = arith.constant 0 : index
      %swap3A_157 = vector.load %arg11[%swap3A_155, %swap3A_156] : memref<10000x64xf32, #tpu.memory_space<vmem>>, vector<1x64xf32>
      tpu.vector_store %arg11[%swap3A_155, %swap3A_156], %slice3A_154 {strides = array<i32>} : memref<10000x64xf32, #tpu.memory_space<vmem>>, vector<1x64xf32>,
      %scan3A_158 = arith.constant 3 : i32
      %scan3A_159 = arith.addi %scan3A_58, %scan3A_158 : i32
      %slice3A_160 = vector.extract_strided_slice %mul3A_153 {offsets = [0, 0], sizes = [1, 64], strides = [1, 1]} : vector<1x128xf32> to vector<1x64xf32>
      %dot_general3A_161 = arith.constant dense<0.000000e+00> : vector<1x512xf32>
      %dot_general3A_162 = tpu.matmul %slice3A_160, %get3A_25, %dot_general3A_161 {dimension_numbers = #tpu.dot_dimension_numbers<[1], [0], [0], [1], [0, 0, 1, 1], [], []>, transpose_lhs_hint = false} : vector<1x64xf32>, vector<64x512xf32>, vector<1x512xf32> -> vector<1x512xf32>
      %get3A_163 = arith.index_cast %scan3A_159 : i32 to index
      %get3A_164 = arith.constant 0 : index
      %get3A_165 = vector.load %arg10[%get3A_163, %get3A_164] : memref<10000x512xf32, #tpu.memory_space<vmem>>, vector<1x512xf32>
      %add3A_166 = arith.addf %dot_general3A_162, %get3A_165 : vector<1x512xf32>
      %tanh3A_167 = math.tanh %add3A_166 : vector<1x512xf32>
      %mul3A_168 = arith.constant 5.000000e-01 : f32
      %mul3A_169 = vector.broadcast %mul3A_168 : f32 to vector<1x512xf32>
      %mul3A_170 = arith.mulf %mul3A_169, %tanh3A_167 : vector<1x512xf32>
      %add3A_171 = arith.constant 5.000000e-01 : f32
      %add3A_172 = vector.broadcast %add3A_171 : f32 to vector<1x512xf32>
      %add3A_173 = arith.addf %mul3A_170, %add3A_172 : vector<1x512xf32>
      %slice3A_174 = vector.extract_strided_slice %tanh3A_167 {offsets = [0, 256], sizes = [1, 128], strides = [1, 1]} : vector<1x512xf32> to vector<1x128xf32>
      %slice3A_175 = vector.extract_strided_slice %tanh3A_167 {offsets = [0, 384], sizes = [1, 128], strides = [1, 1]} : vector<1x512xf32> to vector<1x128xf32>
      %slice3A_176 = vector.extract_strided_slice %add3A_173 {offsets = [0, 0], sizes = [1, 128], strides = [1, 1]} : vector<1x512xf32> to vector<1x128xf32>
      %slice3A_177 = vector.extract_strided_slice %add3A_173 {offsets = [0, 128], sizes = [1, 128], strides = [1, 1]} : vector<1x512xf32> to vector<1x128xf32>
      %slice3A_178 = vector.extract_strided_slice %add3A_173 {offsets = [0, 256], sizes = [1, 128], strides = [1, 1]} : vector<1x512xf32> to vector<1x128xf32>
      %slice3A_179 = vector.extract_strided_slice %add3A_173 {offsets = [0, 384], sizes = [1, 128], strides = [1, 1]} : vector<1x512xf32> to vector<1x128xf32>
      %select_n3A_180 = arith.select %lt3A_27, %slice3A_174, %add3A_150 : vector<1x128xi1>, vector<1x128xf32>
      %mul3A_181 = arith.mulf %slice3A_176, %select_n3A_180 : vector<1x128xf32>
      %select_n3A_182 = arith.select %lt3A_27, %add3A_150, %slice3A_175 : vector<1x128xi1>, vector<1x128xf32>
      %mul3A_183 = arith.mulf %slice3A_177, %select_n3A_182 : vector<1x128xf32>
      %add3A_184 = arith.addf %mul3A_181, %mul3A_183 : vector<1x128xf32>
      %select_n3A_185 = arith.select %lt3A_27, %slice3A_179, %slice3A_178 : vector<1x128xi1>, vector<1x128xf32>
      %tanh3A_186 = math.tanh %add3A_184 : vector<1x128xf32>
      %mul3A_187 = arith.mulf %select_n3A_185, %tanh3A_186 : vector<1x128xf32>
      %slice3A_188 = vector.extract_strided_slice %mul3A_187 {offsets = [0, 0], sizes = [1, 64], strides = [1, 1]} : vector<1x128xf32> to vector<1x64xf32>
      %swap3A_189 = arith.index_cast %scan3A_159 : i32 to index
      %swap3A_190 = arith.constant 0 : index
      %swap3A_191 = vector.load %arg11[%swap3A_189, %swap3A_190] : memref<10000x64xf32, #tpu.memory_space<vmem>>, vector<1x64xf32>
      tpu.vector_store %arg11[%swap3A_189, %swap3A_190], %slice3A_188 {strides = array<i32>} : memref<10000x64xf32, #tpu.memory_space<vmem>>, vector<1x64xf32>,
      %scan3A_192 = arith.constant 4 : i32
      %scan3A_193 = arith.addi %scan3A_58, %scan3A_192 : i32
      %slice3A_194 = vector.extract_strided_slice %mul3A_187 {offsets = [0, 0], sizes = [1, 64], strides = [1, 1]} : vector<1x128xf32> to vector<1x64xf32>
      %dot_general3A_195 = arith.constant dense<0.000000e+00> : vector<1x512xf32>
      %dot_general3A_196 = tpu.matmul %slice3A_194, %get3A_25, %dot_general3A_195 {dimension_numbers = #tpu.dot_dimension_numbers<[1], [0], [0], [1], [0, 0, 1, 1], [], []>, transpose_lhs_hint = false} : vector<1x64xf32>, vector<64x512xf32>, vector<1x512xf32> -> vector<1x512xf32>
      %get3A_197 = arith.index_cast %scan3A_193 : i32 to index
      %get3A_198 = arith.constant 0 : index
      %get3A_199 = vector.load %arg10[%get3A_197, %get3A_198] : memref<10000x512xf32, #tpu.memory_space<vmem>>, vector<1x512xf32>
      %add3A_200 = arith.addf %dot_general3A_196, %get3A_199 : vector<1x512xf32>
      %tanh3A_201 = math.tanh %add3A_200 : vector<1x512xf32>
      %mul3A_202 = arith.constant 5.000000e-01 : f32
      %mul3A_203 = vector.broadcast %mul3A_202 : f32 to vector<1x512xf32>
      %mul3A_204 = arith.mulf %mul3A_203, %tanh3A_201 : vector<1x512xf32>
      %add3A_205 = arith.constant 5.000000e-01 : f32
      %add3A_206 = vector.broadcast %add3A_205 : f32 to vector<1x512xf32>
      %add3A_207 = arith.addf %mul3A_204, %add3A_206 : vector<1x512xf32>
      %slice3A_208 = vector.extract_strided_slice %tanh3A_201 {offsets = [0, 256], sizes = [1, 128], strides = [1, 1]} : vector<1x512xf32> to vector<1x128xf32>
      %slice3A_209 = vector.extract_strided_slice %tanh3A_201 {offsets = [0, 384], sizes = [1, 128], strides = [1, 1]} : vector<1x512xf32> to vector<1x128xf32>
      %slice3A_210 = vector.extract_strided_slice %add3A_207 {offsets = [0, 0], sizes = [1, 128], strides = [1, 1]} : vector<1x512xf32> to vector<1x128xf32>
      %slice3A_211 = vector.extract_strided_slice %add3A_207 {offsets = [0, 128], sizes = [1, 128], strides = [1, 1]} : vector<1x512xf32> to vector<1x128xf32>
      %slice3A_212 = vector.extract_strided_slice %add3A_207 {offsets = [0, 256], sizes = [1, 128], strides = [1, 1]} : vector<1x512xf32> to vector<1x128xf32>
      %slice3A_213 = vector.extract_strided_slice %add3A_207 {offsets = [0, 384], sizes = [1, 128], strides = [1, 1]} : vector<1x512xf32> to vector<1x128xf32>
      %select_n3A_214 = arith.select %lt3A_27, %slice3A_208, %add3A_184 : vector<1x128xi1>, vector<1x128xf32>
      %mul3A_215 = arith.mulf %slice3A_210, %select_n3A_214 : vector<1x128xf32>
      %select_n3A_216 = arith.select %lt3A_27, %add3A_184, %slice3A_209 : vector<1x128xi1>, vector<1x128xf32>
      %mul3A_217 = arith.mulf %slice3A_211, %select_n3A_216 : vector<1x128xf32>
      %add3A_218 = arith.addf %mul3A_215, %mul3A_217 : vector<1x128xf32>
      %select_n3A_219 = arith.select %lt3A_27, %slice3A_213, %slice3A_212 : vector<1x128xi1>, vector<1x128xf32>
      %tanh3A_220 = math.tanh %add3A_218 : vector<1x128xf32>
      %mul3A_221 = arith.mulf %select_n3A_219, %tanh3A_220 : vector<1x128xf32>
      %slice3A_222 = vector.extract_strided_slice %mul3A_221 {offsets = [0, 0], sizes = [1, 64], strides = [1, 1]} : vector<1x128xf32> to vector<1x64xf32>
      %swap3A_223 = arith.index_cast %scan3A_193 : i32 to index
      %swap3A_224 = arith.constant 0 : index
      %swap3A_225 = vector.load %arg11[%swap3A_223, %swap3A_224] : memref<10000x64xf32, #tpu.memory_space<vmem>>, vector<1x64xf32>
      tpu.vector_store %arg11[%swap3A_223, %swap3A_224], %slice3A_222 {strides = array<i32>} : memref<10000x64xf32, #tpu.memory_space<vmem>>, vector<1x64xf32>,
      %scan3A_226 = arith.constant 5 : i32
      %scan3A_227 = arith.addi %scan3A_58, %scan3A_226 : i32
      %slice3A_228 = vector.extract_strided_slice %mul3A_221 {offsets = [0, 0], sizes = [1, 64], strides = [1, 1]} : vector<1x128xf32> to vector<1x64xf32>
      %dot_general3A_229 = arith.constant dense<0.000000e+00> : vector<1x512xf32>
      %dot_general3A_230 = tpu.matmul %slice3A_228, %get3A_25, %dot_general3A_229 {dimension_numbers = #tpu.dot_dimension_numbers<[1], [0], [0], [1], [0, 0, 1, 1], [], []>, transpose_lhs_hint = false} : vector<1x64xf32>, vector<64x512xf32>, vector<1x512xf32> -> vector<1x512xf32>
      %get3A_231 = arith.index_cast %scan3A_227 : i32 to index
      %get3A_232 = arith.constant 0 : index
      %get3A_233 = vector.load %arg10[%get3A_231, %get3A_232] : memref<10000x512xf32, #tpu.memory_space<vmem>>, vector<1x512xf32>
      %add3A_234 = arith.addf %dot_general3A_230, %get3A_233 : vector<1x512xf32>
      %tanh3A_235 = math.tanh %add3A_234 : vector<1x512xf32>
      %mul3A_236 = arith.constant 5.000000e-01 : f32
      %mul3A_237 = vector.broadcast %mul3A_236 : f32 to vector<1x512xf32>
      %mul3A_238 = arith.mulf %mul3A_237, %tanh3A_235 : vector<1x512xf32>
      %add3A_239 = arith.constant 5.000000e-01 : f32
      %add3A_240 = vector.broadcast %add3A_239 : f32 to vector<1x512xf32>
      %add3A_241 = arith.addf %mul3A_238, %add3A_240 : vector<1x512xf32>
      %slice3A_242 = vector.extract_strided_slice %tanh3A_235 {offsets = [0, 256], sizes = [1, 128], strides = [1, 1]} : vector<1x512xf32> to vector<1x128xf32>
      %slice3A_243 = vector.extract_strided_slice %tanh3A_235 {offsets = [0, 384], sizes = [1, 128], strides = [1, 1]} : vector<1x512xf32> to vector<1x128xf32>
      %slice3A_244 = vector.extract_strided_slice %add3A_241 {offsets = [0, 0], sizes = [1, 128], strides = [1, 1]} : vector<1x512xf32> to vector<1x128xf32>
      %slice3A_245 = vector.extract_strided_slice %add3A_241 {offsets = [0, 128], sizes = [1, 128], strides = [1, 1]} : vector<1x512xf32> to vector<1x128xf32>
      %slice3A_246 = vector.extract_strided_slice %add3A_241 {offsets = [0, 256], sizes = [1, 128], strides = [1, 1]} : vector<1x512xf32> to vector<1x128xf32>
      %slice3A_247 = vector.extract_strided_slice %add3A_241 {offsets = [0, 384], sizes = [1, 128], strides = [1, 1]} : vector<1x512xf32> to vector<1x128xf32>
      %select_n3A_248 = arith.select %lt3A_27, %slice3A_242, %add3A_218 : vector<1x128xi1>, vector<1x128xf32>
      %mul3A_249 = arith.mulf %slice3A_244, %select_n3A_248 : vector<1x128xf32>
      %select_n3A_250 = arith.select %lt3A_27, %add3A_218, %slice3A_243 : vector<1x128xi1>, vector<1x128xf32>
      %mul3A_251 = arith.mulf %slice3A_245, %select_n3A_250 : vector<1x128xf32>
      %add3A_252 = arith.addf %mul3A_249, %mul3A_251 : vector<1x128xf32>
      %select_n3A_253 = arith.select %lt3A_27, %slice3A_247, %slice3A_246 : vector<1x128xi1>, vector<1x128xf32>
      %tanh3A_254 = math.tanh %add3A_252 : vector<1x128xf32>
      %mul3A_255 = arith.mulf %select_n3A_253, %tanh3A_254 : vector<1x128xf32>
      %slice3A_256 = vector.extract_strided_slice %mul3A_255 {offsets = [0, 0], sizes = [1, 64], strides = [1, 1]} : vector<1x128xf32> to vector<1x64xf32>
      %swap3A_257 = arith.index_cast %scan3A_227 : i32 to index
      %swap3A_258 = arith.constant 0 : index
      %swap3A_259 = vector.load %arg11[%swap3A_257, %swap3A_258] : memref<10000x64xf32, #tpu.memory_space<vmem>>, vector<1x64xf32>
      tpu.vector_store %arg11[%swap3A_257, %swap3A_258], %slice3A_256 {strides = array<i32>} : memref<10000x64xf32, #tpu.memory_space<vmem>>, vector<1x64xf32>,
      %scan3A_260 = arith.constant 6 : i32
      %scan3A_261 = arith.addi %scan3A_58, %scan3A_260 : i32
      %slice3A_262 = vector.extract_strided_slice %mul3A_255 {offsets = [0, 0], sizes = [1, 64], strides = [1, 1]} : vector<1x128xf32> to vector<1x64xf32>
      %dot_general3A_263 = arith.constant dense<0.000000e+00> : vector<1x512xf32>
      %dot_general3A_264 = tpu.matmul %slice3A_262, %get3A_25, %dot_general3A_263 {dimension_numbers = #tpu.dot_dimension_numbers<[1], [0], [0], [1], [0, 0, 1, 1], [], []>, transpose_lhs_hint = false} : vector<1x64xf32>, vector<64x512xf32>, vector<1x512xf32> -> vector<1x512xf32>
      %get3A_265 = arith.index_cast %scan3A_261 : i32 to index
      %get3A_266 = arith.constant 0 : index
      %get3A_267 = vector.load %arg10[%get3A_265, %get3A_266] : memref<10000x512xf32, #tpu.memory_space<vmem>>, vector<1x512xf32>
      %add3A_268 = arith.addf %dot_general3A_264, %get3A_267 : vector<1x512xf32>
      %tanh3A_269 = math.tanh %add3A_268 : vector<1x512xf32>
      %mul3A_270 = arith.constant 5.000000e-01 : f32
      %mul3A_271 = vector.broadcast %mul3A_270 : f32 to vector<1x512xf32>
      %mul3A_272 = arith.mulf %mul3A_271, %tanh3A_269 : vector<1x512xf32>
      %add3A_273 = arith.constant 5.000000e-01 : f32
      %add3A_274 = vector.broadcast %add3A_273 : f32 to vector<1x512xf32>
      %add3A_275 = arith.addf %mul3A_272, %add3A_274 : vector<1x512xf32>
      %slice3A_276 = vector.extract_strided_slice %tanh3A_269 {offsets = [0, 256], sizes = [1, 128], strides = [1, 1]} : vector<1x512xf32> to vector<1x128xf32>
      %slice3A_277 = vector.extract_strided_slice %tanh3A_269 {offsets = [0, 384], sizes = [1, 128], strides = [1, 1]} : vector<1x512xf32> to vector<1x128xf32>
      %slice3A_278 = vector.extract_strided_slice %add3A_275 {offsets = [0, 0], sizes = [1, 128], strides = [1, 1]} : vector<1x512xf32> to vector<1x128xf32>
      %slice3A_279 = vector.extract_strided_slice %add3A_275 {offsets = [0, 128], sizes = [1, 128], strides = [1, 1]} : vector<1x512xf32> to vector<1x128xf32>
      %slice3A_280 = vector.extract_strided_slice %add3A_275 {offsets = [0, 256], sizes = [1, 128], strides = [1, 1]} : vector<1x512xf32> to vector<1x128xf32>
      %slice3A_281 = vector.extract_strided_slice %add3A_275 {offsets = [0, 384], sizes = [1, 128], strides = [1, 1]} : vector<1x512xf32> to vector<1x128xf32>
      %select_n3A_282 = arith.select %lt3A_27, %slice3A_276, %add3A_252 : vector<1x128xi1>, vector<1x128xf32>
      %mul3A_283 = arith.mulf %slice3A_278, %select_n3A_282 : vector<1x128xf32>
      %select_n3A_284 = arith.select %lt3A_27, %add3A_252, %slice3A_277 : vector<1x128xi1>, vector<1x128xf32>
      %mul3A_285 = arith.mulf %slice3A_279, %select_n3A_284 : vector<1x128xf32>
      %add3A_286 = arith.addf %mul3A_283, %mul3A_285 : vector<1x128xf32>
      %select_n3A_287 = arith.select %lt3A_27, %slice3A_281, %slice3A_280 : vector<1x128xi1>, vector<1x128xf32>
      %tanh3A_288 = math.tanh %add3A_286 : vector<1x128xf32>
      %mul3A_289 = arith.mulf %select_n3A_287, %tanh3A_288 : vector<1x128xf32>
      %slice3A_290 = vector.extract_strided_slice %mul3A_289 {offsets = [0, 0], sizes = [1, 64], strides = [1, 1]} : vector<1x128xf32> to vector<1x64xf32>
      %swap3A_291 = arith.index_cast %scan3A_261 : i32 to index
      %swap3A_292 = arith.constant 0 : index
      %swap3A_293 = vector.load %arg11[%swap3A_291, %swap3A_292] : memref<10000x64xf32, #tpu.memory_space<vmem>>, vector<1x64xf32>
      tpu.vector_store %arg11[%swap3A_291, %swap3A_292], %slice3A_290 {strides = array<i32>} : memref<10000x64xf32, #tpu.memory_space<vmem>>, vector<1x64xf32>,
      %scan3A_294 = arith.constant 7 : i32
      %scan3A_295 = arith.addi %scan3A_58, %scan3A_294 : i32
      %slice3A_296 = vector.extract_strided_slice %mul3A_289 {offsets = [0, 0], sizes = [1, 64], strides = [1, 1]} : vector<1x128xf32> to vector<1x64xf32>
      %dot_general3A_297 = arith.constant dense<0.000000e+00> : vector<1x512xf32>
      %dot_general3A_298 = tpu.matmul %slice3A_296, %get3A_25, %dot_general3A_297 {dimension_numbers = #tpu.dot_dimension_numbers<[1], [0], [0], [1], [0, 0, 1, 1], [], []>, transpose_lhs_hint = false} : vector<1x64xf32>, vector<64x512xf32>, vector<1x512xf32> -> vector<1x512xf32>
      %get3A_299 = arith.index_cast %scan3A_295 : i32 to index
      %get3A_300 = arith.constant 0 : index
      %get3A_301 = vector.load %arg10[%get3A_299, %get3A_300] : memref<10000x512xf32, #tpu.memory_space<vmem>>, vector<1x512xf32>
      %add3A_302 = arith.addf %dot_general3A_298, %get3A_301 : vector<1x512xf32>
      %tanh3A_303 = math.tanh %add3A_302 : vector<1x512xf32>
      %mul3A_304 = arith.constant 5.000000e-01 : f32
      %mul3A_305 = vector.broadcast %mul3A_304 : f32 to vector<1x512xf32>
      %mul3A_306 = arith.mulf %mul3A_305, %tanh3A_303 : vector<1x512xf32>
      %add3A_307 = arith.constant 5.000000e-01 : f32
      %add3A_308 = vector.broadcast %add3A_307 : f32 to vector<1x512xf32>
      %add3A_309 = arith.addf %mul3A_306, %add3A_308 : vector<1x512xf32>
      %slice3A_310 = vector.extract_strided_slice %tanh3A_303 {offsets = [0, 256], sizes = [1, 128], strides = [1, 1]} : vector<1x512xf32> to vector<1x128xf32>
      %slice3A_311 = vector.extract_strided_slice %tanh3A_303 {offsets = [0, 384], sizes = [1, 128], strides = [1, 1]} : vector<1x512xf32> to vector<1x128xf32>
      %slice3A_312 = vector.extract_strided_slice %add3A_309 {offsets = [0, 0], sizes = [1, 128], strides = [1, 1]} : vector<1x512xf32> to vector<1x128xf32>
      %slice3A_313 = vector.extract_strided_slice %add3A_309 {offsets = [0, 128], sizes = [1, 128], strides = [1, 1]} : vector<1x512xf32> to vector<1x128xf32>
      %slice3A_314 = vector.extract_strided_slice %add3A_309 {offsets = [0, 256], sizes = [1, 128], strides = [1, 1]} : vector<1x512xf32> to vector<1x128xf32>
      %slice3A_315 = vector.extract_strided_slice %add3A_309 {offsets = [0, 384], sizes = [1, 128], strides = [1, 1]} : vector<1x512xf32> to vector<1x128xf32>
      %select_n3A_316 = arith.select %lt3A_27, %slice3A_310, %add3A_286 : vector<1x128xi1>, vector<1x128xf32>
      %mul3A_317 = arith.mulf %slice3A_312, %select_n3A_316 : vector<1x128xf32>
      %select_n3A_318 = arith.select %lt3A_27, %add3A_286, %slice3A_311 : vector<1x128xi1>, vector<1x128xf32>
      %mul3A_319 = arith.mulf %slice3A_313, %select_n3A_318 : vector<1x128xf32>
      %add3A_320 = arith.addf %mul3A_317, %mul3A_319 : vector<1x128xf32>
      %select_n3A_321 = arith.select %lt3A_27, %slice3A_315, %slice3A_314 : vector<1x128xi1>, vector<1x128xf32>
      %tanh3A_322 = math.tanh %add3A_320 : vector<1x128xf32>
      %mul3A_323 = arith.mulf %select_n3A_321, %tanh3A_322 : vector<1x128xf32>
      %slice3A_324 = vector.extract_strided_slice %mul3A_323 {offsets = [0, 0], sizes = [1, 64], strides = [1, 1]} : vector<1x128xf32> to vector<1x64xf32>
      %swap3A_325 = arith.index_cast %scan3A_295 : i32 to index
      %swap3A_326 = arith.constant 0 : index
      %swap3A_327 = vector.load %arg11[%swap3A_325, %swap3A_326] : memref<10000x64xf32, #tpu.memory_space<vmem>>, vector<1x64xf32>
      tpu.vector_store %arg11[%swap3A_325, %swap3A_326], %slice3A_324 {strides = array<i32>} : memref<10000x64xf32, #tpu.memory_space<vmem>>, vector<1x64xf32>,
      scf.yield %mul3A_323, %add3A_320 : vector<1x128xf32>, vector<1x128xf32>
    }
    %scan3A_33 = arith.constant 10000 : i32
    %get3A_34 = arith.constant 0 : index
    %get3A_35 = arith.constant 0 : index
    %get3A_36 = vector.load %arg7[%get3A_34, %get3A_35] : memref<1x15xf32, #tpu.memory_space<vmem>>, vector<1x15xf32>
    %get3A_37 = arith.constant 0 : index
    %get3A_38 = arith.constant 0 : index
    %get3A_39 = vector.load %arg8[%get3A_37, %get3A_38] : memref<1x15xf32, #tpu.memory_space<vmem>>, vector<1x15xf32>
    %mul3A = arith.mulf %get3A_36, %get3A_39 : vector<1x15xf32>
    %reduce_sum3A_40 = vector.shape_cast %mul3A : vector<1x15xf32> to vector<1x1x15xf32>
    %reduce_sum3A_41 = arith.constant dense<0.000000e+00> : vector<1xf32>
    %reduce_sum3A_42 = vector.multi_reduction <add>, %reduce_sum3A_40, %reduce_sum3A_41 [1, 2] : vector<1x1x15xf32> to vector<1xf32>
    %reduce_sum3A_43 = vector.shape_cast %reduce_sum3A_42 : vector<1xf32> to vector<1x1x1xf32>
    %reduce_sum3A_44 = vector.extract %reduce_sum3A_43[0, 0, 0] : f32 from vector<1x1x1xf32>
    %get3A_45 = arith.constant 0 : index
    %get3A_46 = arith.constant 0 : index
    %get3A_47 = vector.load %arg11[%get3A_45, %get3A_46] : memref<10000x64xf32, #tpu.memory_space<vmem>>, vector<10000x64xf32>
    %get3A_48 = arith.constant 0 : index
    %get3A_49 = arith.constant 0 : index
    %get3A_50 = vector.load %arg6[%get3A_48, %get3A_49] : memref<64x1xf32, #tpu.memory_space<vmem>>, vector<64x1xf32>
    %dot_general3A_51 = arith.constant dense<0.000000e+00> : vector<10000x1xf32>
    %dot_general3A_52 = tpu.matmul %get3A_47, %get3A_50, %dot_general3A_51 {dimension_numbers = #tpu.dot_dimension_numbers<[1], [0], [0], [1], [0, 0, 1, 1], [], []>, transpose_lhs_hint = false} : vector<10000x64xf32>, vector<64x1xf32>, vector<10000x1xf32> -> vector<10000x1xf32>
    %add3A_53 = vector.broadcast %reduce_sum3A_44 : f32 to vector<10000x1xf32>
    %add3A_54 = arith.addf %dot_general3A_52, %add3A_53 : vector<10000x1xf32>
    %swap3A_55 = arith.constant 0 : index
    %swap3A_56 = arith.constant 0 : index
    %swap3A_57 = vector.load %arg9[%swap3A_55, %swap3A_56] : memref<10000x1xf32, #tpu.memory_space<vmem>>, vector<10000x1xf32>
    tpu.vector_store %arg9[%swap3A_55, %swap3A_56], %add3A_54 {strides = array<i32>} : memref<10000x1xf32, #tpu.memory_space<vmem>>, vector<10000x1xf32>,
    return
  }
}

</mosaic_0001>

<sc_bundles>
// kernel: kernel.6.cloned.1.call-start
scs
__scs_entry_jumppad:
0x0: {  	(pc) =	sbr.rel $0x88, $3  }
0x1: {  	(tag) =	ssettag $0x0;
	lr =	simm.s32 $0x1  }
0x2: {  	[smem:$0x3F91] =	sst lr;
	_ =	strace $0xD0000000  }
0x3: {  	_ = 	snop  }
0x4: {  	_ = 	snop  }
0x5: {  	_ = 	snop  }
0x6: {  	_ = 	snop  }
0x7: {  	_ = 	snop  }
__scs_overlays_trampoline_lowered:
0x8: {  	[smem:$0x3FA0] =	sst s0  }
0x9: {  	[smem:$0x3FA1] =	sst s1  }
0xa: {  	[smem:$0x3FA2] =	sst s2  }
0xb: {  	[smem:$0x3FA3] =	sst s3  }
0xc: {  	[smem:$0x3FA4] =	sst s4  }
0xd: {  	[smem:$0x3FA5] =	sst s5  }
0xe: {  	[smem:$0x3FA6] =	sst s6  }
0xf: {  	[smem:$0x3FA7] =	sst s7  }
0x10: {  	[smem:$0x3FA8] =	sst s8  }
0x11: {  	[smem:$0x3FA9] =	sst s9;
	s0 =	simm.s32 @!p0 $0x0  }
0x12: {  	s1 =	sld [smem:$0x3F8F];
	s0 =	simm.s32 @p0 $0x1  }
0x13: {  	[smem:$0x3FAA] =	sst s0;
	s0 =	simm.s32 @!p1 $0x0  }
0x14: {  	s2 =	sld [smem:$0x3F8E];
	s0 =	simm.s32 @p1 $0x1  }
0x15: {  	[smem:$0x3FAB] =	sst s0;
	s0 =	simm.s32 @!p2 $0x0  }
0x16: {  	s3 =	sld [smem:$0x3FDB];
	s0 =	simm.s32 @p2 $0x1  }
0x17: {  	s4 =	simm.s32 $0x1BF5;
	[smem:$0x3FAD] =	sst s0  }
0x18: {  	s0 =	sld [smem:$0x3F90];
	_ =	swait.ge [sflag:s4], $0x0  }
0x19: {  	s7 =	sld [smem:$0x3F91]  }
0x1a: {  	s8 =	sadd.s32 $0xFFFFE003, lr  }
0x1b: {  	s9 =	sadd.s32 $0xFFFFFEF7, lr;
	s5 =	simm.s32 $0xFFFFFFFF;
	p2 =	slt.u32 s8, $0xFFFFF086  }
0x1c: {  	p1 =	slt.u32 s9, $0xF7A;
	s5 =	simm.s32 @!p2 $0x0  }
0x1d: {  	s5 =	simm.s32 @p1 $0x1;
	p0 =	seq.s32 s7, s2  }
0x1e: {  	s7 =	smul.u32 @!p0 $0xF7A, s2;
	p2 =	seq.s32 @!p0 s5, $0x0  }
0x1f: {  	s9 =	smul.u32 $0xF7A, s1;
	s8 =	simm.s32 @!p0 $0x1BF5;
	p2 =	por !p2, p0  }
0x20: {  	[sflag:s8] =	ssyncset.s32 @!p0 $0xFFFFF086;
	s6 =	sadd.s32 @!p0 s3, s7;
	s7 =	simm.s32 @!p0 $0x108  }
0x21: {  	s3 =	sadd.s32 s3, s9;
	s6 =	sadd.s32 @!p0 $0x88, s6;
	s7 =	simm.s32 @p2 $0x1082  }
0x22: {  	[simem:s7], [sflag:s8] =	dma.local @!p0 [hbm:s6], $0xF7A  }
0x23: {  	s9 =	sor.u32 $0xD0000000, s2;
	s6 =	simm.s32 $0x108;
	_ =	swait.ge @!p0 [sflag:s8], $0x0  }
0x24: {  	s3 =	sadd.s32 $0x88, s3;
	s6 =	simm.s32 @!p1 $0x1082;
	[sflag:s4] =	ssyncset.s32 $0xFFFFF086  }
0x25: {  	[simem:s6], [sflag:s4] =	dma.local [hbm:s3], $0xF7A  }
0x26: {  	[smem:$0x3F91] =	sst s1;
	(tag) =	ssettag s2;
	_ =	strace s9  }
0x27: {  	s1 =	sld [smem:$0x3FA1]  }
0x28: {  	s2 =	sld [smem:$0x3FA2]  }
0x29: {  	s4 =	sld [smem:$0x3FA4]  }
0x2a: {  	p0 =	seq.s32 s5, $0x0;
	s5 =	sld [smem:$0x3FA5]  }
0x2b: {  	s6 =	sld [smem:$0x3FA6]  }
0x2c: {  	s7 =	sld [smem:$0x3FA7]  }
0x2d: {  	s3 =	simm.s32 $0x108;
	s8 =	sld [smem:$0x3FA8]  }
0x2e: {  	s3 =	simm.s32 @!p0 $0x1082;
	s9 =	sld [smem:$0x3FA9]  }
0x2f: {  	lr =	sadd.s32 s0, s3;
	s0 =	sld [smem:$0x3FA0]  }
0x30: {  	s3 =	sld [smem:$0x3FA3]  }
0x31: {  	[smem:$0x3FAC] =	sst s10  }
0x32: {  	s10 =	sld [smem:$0x3FAA];
	_ =	sdelay $0x3  }
0x33: {  	p0 =	seq.s32 s10, $0x1;
	s10 =	sld [smem:$0x3FAC];
	_ =	sdelay $0x3  }
0x34: {  	[smem:$0x3FAC] =	sst s10  }
0x35: {  	s10 =	sld [smem:$0x3FAB];
	_ =	sdelay $0x3  }
0x36: {  	p1 =	seq.s32 s10, $0x1;
	s10 =	sld [smem:$0x3FAC];
	_ =	sdelay $0x3  }
0x37: {  	[smem:$0x3FAC] =	sst s10  }
0x38: {  	s10 =	sld [smem:$0x3FAD]  }
0x39: {  	_ = 	snop;
	(pc) =	sbr.ind lr, $3  }
0x3a: {  	_ = 	snop  }
0x3b: {  	_ = 	snop  }
0x3c: {  	p2 =	seq.s32 s10, $0x1;
	s10 =	sld [smem:$0x3FAC]  }
0x3d: {  	_ =	shalt  }
0x3e: {  	_ =	shalt  }
0x3f: {  	_ =	shalt  }
0x40: {  	_ =	shalt  }
0x41: {  	_ =	shalt  }
0x42: {  	_ =	shalt  }
0x43: {  	_ =	shalt  }
0x44: {  	_ =	shalt  }
0x45: {  	_ =	shalt  }
0x46: {  	_ =	shalt  }
0x47: {  	_ =	shalt  }
0x48: {  	_ =	shalt  }
0x49: {  	_ =	shalt  }
0x4a: {  	_ =	shalt  }
0x4b: {  	_ =	shalt  }
0x4c: {  	_ =	shalt  }
0x4d: {  	_ =	shalt  }
0x4e: {  	_ =	shalt  }
0x4f: {  	_ =	shalt  }
0x50: {  	_ =	shalt  }
0x51: {  	_ =	shalt  }
0x52: {  	_ =	shalt  }
0x53: {  	_ =	shalt  }
0x54: {  	_ =	shalt  }
0x55: {  	_ =	shalt  }
0x56: {  	_ =	shalt  }
0x57: {  	_ =	shalt  }
0x58: {  	_ =	shalt  }
0x59: {  	_ =	shalt  }
0x5a: {  	_ =	shalt  }
0x5b: {  	_ =	shalt  }
0x5c: {  	_ =	shalt  }
0x5d: {  	_ =	shalt  }
0x5e: {  	_ =	shalt  }
0x5f: {  	_ =	shalt  }
0x60: {  	_ =	shalt  }
0x61: {  	_ =	shalt  }
0x62: {  	_ =	shalt  }
0x63: {  	_ =	shalt  }
0x64: {  	_ =	shalt  }
0x65: {  	_ =	shalt  }
0x66: {  	_ =	shalt  }
0x67: {  	_ =	shalt  }
0x68: {  	_ =	shalt  }
0x69: {  	_ =	shalt  }
0x6a: {  	_ =	shalt  }
0x6b: {  	_ =	shalt  }
0x6c: {  	_ =	shalt  }
0x6d: {  	_ =	shalt  }
0x6e: {  	_ =	shalt  }
0x6f: {  	_ =	shalt  }
0x70: {  	_ =	shalt  }
0x71: {  	_ =	shalt  }
0x72: {  	_ =	shalt  }
0x73: {  	_ =	shalt  }
0x74: {  	_ =	shalt  }
0x75: {  	_ =	shalt  }
0x76: {  	_ =	shalt  }
0x77: {  	_ =	shalt  }
0x78: {  	_ =	shalt  }
0x79: {  	_ =	shalt  }
0x7a: {  	_ =	shalt  }
0x7b: {  	_ =	shalt  }
0x7c: {  	_ =	shalt  }
0x7d: {  	_ =	shalt  }
0x7e: {  	_ =	shalt  }
0x7f: {  	_ =	shalt  }
0x80: {  	_ =	shalt  }
0x81: {  	_ =	shalt  }
0x82: {  	_ =	shalt  }
0x83: {  	_ =	shalt  }
0x84: {  	_ =	shalt  }
0x85: {  	_ =	shalt  }
0x86: {  	_ =	shalt  }
0x87: {  	_ =	shalt  }
.Lfunc_end0:
.L_simem_size_0:
called_computation_lowered:
.L_overlay_start_0:
0x88: {  	s2 =	sld [smem:$0x3FD9]  }
0x89: {  	s3 =	sld [smem:$0x3FFE];
	_ =	sdelay $0x1  }
0x8a: {  	s1 =	srdreg.scid  }
0x8b: {  	s0 =	sand.u32 $0x1, s1  }
0x8c: {  	s16 =	sshll.u32 s0, $0xA;
	s2 =	sadd.s32 s3, s2  }
0x8d: {  	s2 =	sadd.s32 s2, s16  }
0x8e: {  	[smem:$0x3FB8] =	sst s2  }
0x8f: {  	_ = 	snop  }
0x90: {  	(tm) =	ssettm $0x1  }
0x91: {  	s17 =	sld [smem:$0x3FFB];
	_ =	sdelay $0x3  }
0x92: {  	_ =	strace s17  }
0x93: {  	s2 =	sld [smem:$0x3FFC];
	_ =	sdelay $0x3  }
0x94: {  	_ =	strace s2  }
0x95: {  	s2 =	sld [smem:$0x3FFD];
	_ =	sdelay $0x3  }
0x96: {  	_ =	strace s2  }
0x97: {  	_ =	strace $0x8FFFFFFF  }
0x98: {  	s18 =	sld [smem:$0x3FDB];
	_ =	sdelay $0x1  }
0x99: {  	s19 =	simm.s32 $_scs_section_size  }
0x9a: {  	s4 =	simm.s32 $_size__tile_overlayer_lowered;
	s5 =	simm.s32 $_tile_overlayer_lowered  }
0x9b: {  	s22 =	simm.s32 $0x1BFF;
	s21 =	sshll.u32 s5, $0x1;
	s2 =	sadd.s32 s19, s18  }
0x9c: {  	s6 =	simm.s32 $0x0;
	s20 =	sshll.u32 s4, $0x1;
	s4 =	sadd.s32 s21, s2  }
0x9d: {  	[timem:s6], [sflag:s22] =	dma.local [hbm:s4], s20  }
0x9e: {  	_ =	swait.ge [sflag:s22], s20  }
0x9f: {  	s3 =	ssub.s32 $0x0, s20;
	[sflag:s22] =	ssyncset.done $0x0  }
0xa0: {  	[sflag:s22] =	ssyncadd.s32 s3;
	_ =	sdelay $0x1  }
0xa1: {  	s23 =	simm.s32 $0x1B8B  }
0xa2: {  	_ =	swait.ge [sflag:s23], $0x1  }
0xa3: {  	[sflag:s23] =	ssyncset.done $0x0  }
0xa4: {  	s25 =	simm.s32 $0x1B8E;
	s24 =	sld [smem:$0x3FFE];
	[sflag:s23] =	ssyncadd.s32 $0xFFFFFFFF  }
0xa5: {  	s26 =	simm.s32 $execute0_lowered;
	[smem:$0x3FD2] =	sst s25  }
0xa6: {  	s4 =	sshll.u32 s26, $0x1;
	_ =	strace $0x80000046;
	[dreg:$0x1] =	wrdreg $0xFFFFFFFF  }
0xa7: {  	s28 =	simm.s32 $_size_execute0_lowered;
	s2 =	sadd.s32 s2, s4;
	[dreg:$0x0] =	wrdreg $0x0  }
0xa8: {  	s4 =	sshll.u32 s28, $0x1;
	[dreg:$0x2] =	wrdreg s2  }
0xa9: {  	[dreg:$0x3] =	wrdreg s4  }
0xaa: {  	[dreg:$0x4] =	wrdreg $0xC0  }
0xab: {  	_ =	task [dreg:s6], $0x5FFFF  }
0xac: {  	[dreg:$0x1] =	wrdreg $0xFFFFFFFF  }
0xad: {  	[dreg:$0x0] =	wrdreg $0x60  }
0xae: {  	[dreg:$0x2] =	wrdreg s24  }
0xaf: {  	[dreg:$0x3] =	wrdreg $0x9  }
0xb0: {  	_ =	task.clear_ibuf [dreg:s6], $0x4FFFF;
	_ =	strace $0x90000046  }
0xb1: {  	s29 =	simm.s32 $0x9;
	_ =	strace $0x80000048  }
0xb2: {  	_ =	swait.ge [sflag:s29], $0x1  }
0xb3: {  	[sflag:s29] =	ssyncadd.s32 $0xFFFFFFFF  }
0xb4: {  	_ =	strace $0x90000048  }
0xb5: {  	_ =	sfence  }
0xb6: {  	s30 =	sld [smem:$0x0];
	_ =	sdelay $0x2  }
0xb7: {  	s31 =	sshll.u32 s1, $0xD;
	s1 =	sshrl.u32 s1, $0x2  }
0xb8: {  	s3 =	sand.u32 $0x4000, s31;
	s1 =	sadd.s32 s1, s30  }
0xb9: {  	s0 =	sor.u32 s3, s0;
	s1 =	sshll.u32 s1, $0x11  }
0xba: {  	s0 =	sor.u32 s1, s0  }
0xbb: {  	s0 =	sadd.s32 $0x8F2B, s0  }
0xbc: {  	[sflag:s0] =	ssyncadd.remote.s32 $0x1  }
0xbd: {  	_ =	sfence.sel $0xFFFF  }
0xbe: {  	[dreg:$0x0] =	wrdreg $0xFFFFFFFF;
	(pc) =	sbr.abs _section_cstart, $3  }
0xbf: {  	[dreg:$0x1] =	wrdreg $0xFFFFFFFF  }
0xc0: {  	_ =	task.clear_ibuf [dreg:s6], $0x2FFFF;
	_ =	strace $0x9FFFFFFF  }
0xc1: {  	(tm) =	ssettm $0x7FFFFFFF  }
tec
execute0_lowered:
.L_overlay_start_1:
0x0: {  	(tag) =	ssettag $0x1  }
0x1: {  	s4 =	rddreg [dreg:$0x0]  }
0x2: {  	s2 =	srdreg.scid;
	s1 =	stileid.u32  }
0x3: {  	s0 =	rddreg [dreg:$0x1];
	s12 =	simm.s32 $0x7680;
	s13 =	simm.s32 $0x2780  }
0x4: {  	s14 =	simm.s32 $0x80;
	s15 =	simm.s32 $0x400;
	s16 =	simm.s32 $0x0  }
0x5: {  	s5 =	sand.u32 $0x1, s2;
	s3 =	sshll.u32 s1, $0x1;
	s2 =	simm.s32 $0x0  }
0x6: {  	s29 =	sshrl.u32 s1, $0x2;
	s9 =	sadd.s32 $0x15E00, s4;
	s10 =	sadd.s32 $0x2400, s4  }
0x7: {  	s6 =	sor.u32 s5, s3;
	[smem:$0x7FF] =	sst s2;
	s7 =	smul.u32 $0x13C00, s29  }
0x8: {  	s3 =	sadd.s32 $0x29800, s4;
	s5 =	ssub.s32 $0x2, s5;
	s8 =	sshll.u32 s6, $0x7  }
0x9: {  	s30 =	sshrl.u32 s5, $0x1;
	s6 =	smul.u32 $0x4E20, s6;
	s8 =	sand.u32 $0x380, s8  }
0xa: {  	_ =	strace $0x80000047;
	s5 =	ssub.s32 s5, s30;
	s7 =	sor.u32 s7, s8  }
0xb: {  	s5 =	smax.u32 s5, $0x1;
	s31 =	sshrl.u32 s6, $0x3;
	s7 =	sshrl.u32 s7, $0x3  }
0xc: {  	s6 =	sadd.s32 s9, s31;
	s11 =	sadd.s32 $0x4E2, s31;
	s4 =	sadd.s32 s7, s4  }
0xd: {  	s7 =	sadd.s32 s10, s31;
	s8 =	sadd.s32 s9, s11;
	s9 =	sadd.s32 s10, s11  }
0xe: {  	v0 =	vimm.f32 $0.0e+00;
	s10 =	simm.s32 $0x1;
	s11 =	simm.s32 $0x4F00;
	s4 =	sadd.s32 $0x29E00, s4  }
.LBB2_1:
0xf: {  	[tilespmem:s2], [sflag:$0x1] =	stream.linear.gather [hbm4b:s3+s2], $0x2780, $0x38;
	[tilespmem:$0x9E00] =	vst v63  }
0x10: {  	_ =	swait.ge [sflag:s10], $0x2780  }
0x11: {  	[sflag:s10] =	ssyncset.done $0x0  }
0x12: {  	s17 =	simm.s32 $0x40;
	s18 =	simm.s32 $0x0;
	[sflag:s10] =	ssyncadd.s32 $0xFFFFD880  }
.LBB2_2:
0x13: {  	p0 =	sne.s32 s17, $0x9C00;
	[tilespmem:s18+$0x2780] =	vst v0;
	s18 =	smov.u32 s17;
	s17 =	sadd.s32 $0x40, s17  }
.Ltmp0:
0x14: {  	(pc) =	sbr.rel @p0 .LBB2_2-.Ltmp0, $2  }
0x15: {  	_ =	sdelay $0x2  }
0x16: {  	s18 =	sshra.s32 s18, $0x2  }
0x17: {  	[tilespmem:s18+$0x2780] =	vst v0;
	s17 =	simm.s32 $0x0  }
0x18: {  	[tilespmem:s11], [sflag:$0x1] =	stream.linear.gather [hbm4b:s6+s17], $0x2710, $0x38;
	[tilespmem:$0x9E00] =	vst v63  }
0x19: {  	_ =	swait.ge [sflag:s10], $0x2710  }
0x1a: {  	[sflag:s10] =	ssyncset.done $0x0  }
0x1b: {  	[sflag:s10] =	ssyncadd.s32 $0xFFFFD8F0  }
0x1c: {  	[tilespmem:s12], [sflag:$0x1] =	stream.linear.gather [hbm4b:s7+s17], $0x2710, $0x38;
	[tilespmem:$0x9E00] =	vst v63  }
0x1d: {  	_ =	swait.ge [sflag:s10], $0x2710  }
0x1e: {  	[sflag:s10] =	ssyncset.done $0x0  }
0x1f: {  	s18 =	simm.s32 $0x0;
	s17 =	simm.s32 $0x40;
	[sflag:s10] =	ssyncadd.s32 $0xFFFFD8F0  }
.LBB2_4:
0x20: {  	p0 =	sne.s32 s17, $0x9C00;
	v1 =	vld [tilespmem:s18+$0x4F00];
	_ =	sdelay $0x5  }
0x21: {  	v2 =	vld [tilespmem:s18+$0x7680];
	_ =	sdelay $0x1  }
0x22: {  	v1 =	vld.idx.msk [tilespmem:v1+s2+$0x0], $0xffff;
	_ =	sdelay $0x1  }
.Ltmp1:
0x23: {  	(pc) =	sbr.rel @p0 .LBB2_4-.Ltmp1, $2  }
0x24: {  	_ =	sdelay $0x2  }
0x25: {  	s18 =	sshra.s32 s17, $0x2;
	s17 =	sadd.s32 $0x40, s17;
	[tilespmem:v2+s13+$0x0] =	vst.idx.add.f32.msk $0xffff, v1  }
0x26: {  	v1 =	vld [tilespmem:s18+$0x4F00];
	_ =	sdelay $0x4  }
0x27: {  	v2 =	vld [tilespmem:s18+$0x7680];
	_ =	sdelay $0x2  }
0x28: {  	v1 =	vld.idx.msk [tilespmem:v1+s2+$0x0], $0xffff;
	_ =	sdelay $0x4  }
0x29: {  	s17 =	simm.s32 $0x0;
	[tilespmem:v2+s13+$0x0] =	vst.idx.add.f32.msk $0xffff, v1  }
0x2a: {  	[tilespmem:s11], [sflag:$0x1] =	stream.linear.gather [hbm4b:s8+s17], $0x2710, $0x38;
	[tilespmem:$0x9E00] =	vst v63  }
0x2b: {  	_ =	swait.ge [sflag:s10], $0x2710  }
0x2c: {  	[sflag:s10] =	ssyncset.done $0x0  }
0x2d: {  	[sflag:s10] =	ssyncadd.s32 $0xFFFFD8F0  }
0x2e: {  	[tilespmem:s12], [sflag:$0x1] =	stream.linear.gather [hbm4b:s9+s17], $0x2710, $0x38;
	[tilespmem:$0x9E00] =	vst v63  }
0x2f: {  	_ =	swait.ge [sflag:s10], $0x2710  }
0x30: {  	[sflag:s10] =	ssyncset.done $0x0  }
0x31: {  	s18 =	simm.s32 $0x0;
	s17 =	simm.s32 $0x40;
	[sflag:s10] =	ssyncadd.s32 $0xFFFFD8F0  }
.LBB2_6:
0x32: {  	p0 =	sne.s32 s17, $0x9C00;
	v1 =	vld [tilespmem:s18+$0x4F00];
	_ =	sdelay $0x5  }
0x33: {  	v2 =	vld [tilespmem:s18+$0x7680];
	_ =	sdelay $0x1  }
0x34: {  	v1 =	vld.idx.msk [tilespmem:v1+s2+$0x0], $0xffff;
	_ =	sdelay $0x1  }
.Ltmp2:
0x35: {  	(pc) =	sbr.rel @p0 .LBB2_6-.Ltmp2, $2  }
0x36: {  	_ =	sdelay $0x2  }
0x37: {  	s18 =	sshra.s32 s17, $0x2;
	s17 =	sadd.s32 $0x40, s17;
	[tilespmem:v2+s13+$0x0] =	vst.idx.add.f32.msk $0xffff, v1  }
0x38: {  	v1 =	vld [tilespmem:s18+$0x4F00];
	_ =	sdelay $0x4  }
0x39: {  	v2 =	vld [tilespmem:s18+$0x7680];
	_ =	sdelay $0x2  }
0x3a: {  	v1 =	vld.idx.msk [tilespmem:v1+s2+$0x0], $0xffff;
	_ =	sdelay $0x2  }
0x3b: {  	s16 =	sadd.s32 $0x1, s16  }
0x3c: {  	p0 =	sne.s32 s16, s5  }
.Ltmp3:
0x3d: {  	[tilespmem:v2+s13+$0x0] =	vst.idx.add.f32.msk $0xffff, v1;
	(pc) =	sbr.rel @p0 .LBB2_1-.Ltmp3, $4  }
0x3e: {  	[hbm4b:s4+s14] =	stream.strided.scatter [tilespmem:s13], [sflag:$0x1], $0x2780, s15, s14, $0x38;
	[tilespmem:$0x9E00] =	vst v63  }
0x3f: {  	_ =	swait.ge [sflag:s10], $0x2780  }
0x40: {  	[sflag:s10] =	ssyncset.done $0x0  }
0x41: {  	[sflag:s10] =	ssyncadd.s32 $0xFFFFD880  }
0x42: {  	_ =	sfence.sel $0x180000  }
0x43: {  	[bflag:$0x0] =	sbarrier.arrive $0xFFFF  }
0x44: {  	p0 =	sne.s32 s1, $0x0;
	_ =	strace $0x90000047  }
0x45: {  	s0 =	sadd.s32 @!p0 $0x100000, s0;
	[bflag:$0x2] =	sbarrier.arrive $0xFFFF  }
0x46: {  	[sflag:s0] =	ssyncadd.tile.s32 @!p0 $0x1;
	_ =	shalt  }
.Lfunc_end2:
_tile_overlayer_lowered:
.L_overlay_start_2:
0x47: {  	(tag) =	ssettag $0x2  }
0x48: {  	s0 =	rddreg [dreg:$0x0];
	s2 =	stileid.u32  }
0x49: {  	s1 =	rddreg [dreg:$0x1];
	p0 =	sne.s32 s2, $0x0  }
0x4a: {  	s3 =	rddreg [dreg:$0x2];
	[bflag:$0x3] =	sbarrier.arrive $0xFFFF;
	s2 =	simm.s32 @!p0 $0x1C01  }
0x4b: {  	[timem:s3], [sflag:s2] =	dma.local @!p0 [hbm:s0], s1  }
0x4c: {  	s0 =	simm.s32 @!p0 $0x1  }
0x4d: {  	_ =	swait.ge @!p0 [sflag:s0], s1  }
0x4e: {  	s1 =	ssub.s32 @!p0 $0x0, s1;
	[sflag:s0] =	ssyncset.done @!p0 $0x0  }
0x4f: {  	[sflag:s0] =	ssyncadd.s32 @!p0 s1  }
0x50: {  	[bflag:$0x3] =	sbarrier.arrive $0xFFFF  }
0x51: {  	_ =	shalt  }

// kernel: kernel.9.cloned.1.call-start
scs
__scs_entry_jumppad:
0x0: {  	(pc) =	sbr.rel $0x88, $3  }
0x1: {  	(tag) =	ssettag $0x0;
	lr =	simm.s32 $0x1  }
0x2: {  	[smem:$0x3F91] =	sst lr;
	_ =	strace $0xD0000000  }
0x3: {  	_ = 	snop  }
0x4: {  	_ = 	snop  }
0x5: {  	_ = 	snop  }
0x6: {  	_ = 	snop  }
0x7: {  	_ = 	snop  }
__scs_overlays_trampoline_lowered:
0x8: {  	[smem:$0x3FA0] =	sst s0  }
0x9: {  	[smem:$0x3FA1] =	sst s1  }
0xa: {  	[smem:$0x3FA2] =	sst s2  }
0xb: {  	[smem:$0x3FA3] =	sst s3  }
0xc: {  	[smem:$0x3FA4] =	sst s4  }
0xd: {  	[smem:$0x3FA5] =	sst s5  }
0xe: {  	[smem:$0x3FA6] =	sst s6  }
0xf: {  	[smem:$0x3FA7] =	sst s7  }
0x10: {  	[smem:$0x3FA8] =	sst s8  }
0x11: {  	[smem:$0x3FA9] =	sst s9;
	s0 =	simm.s32 @!p0 $0x0  }
0x12: {  	s1 =	sld [smem:$0x3F8F];
	s0 =	simm.s32 @p0 $0x1  }
0x13: {  	[smem:$0x3FAA] =	sst s0;
	s0 =	simm.s32 @!p1 $0x0  }
0x14: {  	s2 =	sld [smem:$0x3F8E];
	s0 =	simm.s32 @p1 $0x1  }
0x15: {  	[smem:$0x3FAB] =	sst s0;
	s0 =	simm.s32 @!p2 $0x0  }
0x16: {  	s3 =	sld [smem:$0x3FDB];
	s0 =	simm.s32 @p2 $0x1  }
0x17: {  	s4 =	simm.s32 $0x1BF5;
	[smem:$0x3FAD] =	sst s0  }
0x18: {  	s0 =	sld [smem:$0x3F90];
	_ =	swait.ge [sflag:s4], $0x0  }
0x19: {  	s7 =	sld [smem:$0x3F91]  }
0x1a: {  	s8 =	sadd.s32 $0xFFFFE003, lr  }
0x1b: {  	s9 =	sadd.s32 $0xFFFFFEF7, lr;
	s5 =	simm.s32 $0xFFFFFFFF;
	p2 =	slt.u32 s8, $0xFFFFF086  }
0x1c: {  	p1 =	slt.u32 s9, $0xF7A;
	s5 =	simm.s32 @!p2 $0x0  }
0x1d: {  	s5 =	simm.s32 @p1 $0x1;
	p0 =	seq.s32 s7, s2  }
0x1e: {  	s7 =	smul.u32 @!p0 $0xF7A, s2;
	p2 =	seq.s32 @!p0 s5, $0x0  }
0x1f: {  	s9 =	smul.u32 $0xF7A, s1;
	s8 =	simm.s32 @!p0 $0x1BF5;
	p2 =	por !p2, p0  }
0x20: {  	[sflag:s8] =	ssyncset.s32 @!p0 $0xFFFFF086;
	s6 =	sadd.s32 @!p0 s3, s7;
	s7 =	simm.s32 @!p0 $0x108  }
0x21: {  	s3 =	sadd.s32 s3, s9;
	s6 =	sadd.s32 @!p0 $0x88, s6;
	s7 =	simm.s32 @p2 $0x1082  }
0x22: {  	[simem:s7], [sflag:s8] =	dma.local @!p0 [hbm:s6], $0xF7A  }
0x23: {  	s9 =	sor.u32 $0xD0000000, s2;
	s6 =	simm.s32 $0x108;
	_ =	swait.ge @!p0 [sflag:s8], $0x0  }
0x24: {  	s3 =	sadd.s32 $0x88, s3;
	s6 =	simm.s32 @!p1 $0x1082;
	[sflag:s4] =	ssyncset.s32 $0xFFFFF086  }
0x25: {  	[simem:s6], [sflag:s4] =	dma.local [hbm:s3], $0xF7A  }
0x26: {  	[smem:$0x3F91] =	sst s1;
	(tag) =	ssettag s2;
	_ =	strace s9  }
0x27: {  	s1 =	sld [smem:$0x3FA1]  }
0x28: {  	s2 =	sld [smem:$0x3FA2]  }
0x29: {  	s4 =	sld [smem:$0x3FA4]  }
0x2a: {  	p0 =	seq.s32 s5, $0x0;
	s5 =	sld [smem:$0x3FA5]  }
0x2b: {  	s6 =	sld [smem:$0x3FA6]  }
0x2c: {  	s7 =	sld [smem:$0x3FA7]  }
0x2d: {  	s3 =	simm.s32 $0x108;
	s8 =	sld [smem:$0x3FA8]  }
0x2e: {  	s3 =	simm.s32 @!p0 $0x1082;
	s9 =	sld [smem:$0x3FA9]  }
0x2f: {  	lr =	sadd.s32 s0, s3;
	s0 =	sld [smem:$0x3FA0]  }
0x30: {  	s3 =	sld [smem:$0x3FA3]  }
0x31: {  	[smem:$0x3FAC] =	sst s10  }
0x32: {  	s10 =	sld [smem:$0x3FAA];
	_ =	sdelay $0x3  }
0x33: {  	p0 =	seq.s32 s10, $0x1;
	s10 =	sld [smem:$0x3FAC];
	_ =	sdelay $0x3  }
0x34: {  	[smem:$0x3FAC] =	sst s10  }
0x35: {  	s10 =	sld [smem:$0x3FAB];
	_ =	sdelay $0x3  }
0x36: {  	p1 =	seq.s32 s10, $0x1;
	s10 =	sld [smem:$0x3FAC];
	_ =	sdelay $0x3  }
0x37: {  	[smem:$0x3FAC] =	sst s10  }
0x38: {  	s10 =	sld [smem:$0x3FAD]  }
0x39: {  	_ = 	snop;
	(pc) =	sbr.ind lr, $3  }
0x3a: {  	_ = 	snop  }
0x3b: {  	_ = 	snop  }
0x3c: {  	p2 =	seq.s32 s10, $0x1;
	s10 =	sld [smem:$0x3FAC]  }
0x3d: {  	_ =	shalt  }
0x3e: {  	_ =	shalt  }
0x3f: {  	_ =	shalt  }
0x40: {  	_ =	shalt  }
0x41: {  	_ =	shalt  }
0x42: {  	_ =	shalt  }
0x43: {  	_ =	shalt  }
0x44: {  	_ =	shalt  }
0x45: {  	_ =	shalt  }
0x46: {  	_ =	shalt  }
0x47: {  	_ =	shalt  }
0x48: {  	_ =	shalt  }
0x49: {  	_ =	shalt  }
0x4a: {  	_ =	shalt  }
0x4b: {  	_ =	shalt  }
0x4c: {  	_ =	shalt  }
0x4d: {  	_ =	shalt  }
0x4e: {  	_ =	shalt  }
0x4f: {  	_ =	shalt  }
0x50: {  	_ =	shalt  }
0x51: {  	_ =	shalt  }
0x52: {  	_ =	shalt  }
0x53: {  	_ =	shalt  }
0x54: {  	_ =	shalt  }
0x55: {  	_ =	shalt  }
0x56: {  	_ =	shalt  }
0x57: {  	_ =	shalt  }
0x58: {  	_ =	shalt  }
0x59: {  	_ =	shalt  }
0x5a: {  	_ =	shalt  }
0x5b: {  	_ =	shalt  }
0x5c: {  	_ =	shalt  }
0x5d: {  	_ =	shalt  }
0x5e: {  	_ =	shalt  }
0x5f: {  	_ =	shalt  }
0x60: {  	_ =	shalt  }
0x61: {  	_ =	shalt  }
0x62: {  	_ =	shalt  }
0x63: {  	_ =	shalt  }
0x64: {  	_ =	shalt  }
0x65: {  	_ =	shalt  }
0x66: {  	_ =	shalt  }
0x67: {  	_ =	shalt  }
0x68: {  	_ =	shalt  }
0x69: {  	_ =	shalt  }
0x6a: {  	_ =	shalt  }
0x6b: {  	_ =	shalt  }
0x6c: {  	_ =	shalt  }
0x6d: {  	_ =	shalt  }
0x6e: {  	_ =	shalt  }
0x6f: {  	_ =	shalt  }
0x70: {  	_ =	shalt  }
0x71: {  	_ =	shalt  }
0x72: {  	_ =	shalt  }
0x73: {  	_ =	shalt  }
0x74: {  	_ =	shalt  }
0x75: {  	_ =	shalt  }
0x76: {  	_ =	shalt  }
0x77: {  	_ =	shalt  }
0x78: {  	_ =	shalt  }
0x79: {  	_ =	shalt  }
0x7a: {  	_ =	shalt  }
0x7b: {  	_ =	shalt  }
0x7c: {  	_ =	shalt  }
0x7d: {  	_ =	shalt  }
0x7e: {  	_ =	shalt  }
0x7f: {  	_ =	shalt  }
0x80: {  	_ =	shalt  }
0x81: {  	_ =	shalt  }
0x82: {  	_ =	shalt  }
0x83: {  	_ =	shalt  }
0x84: {  	_ =	shalt  }
0x85: {  	_ =	shalt  }
0x86: {  	_ =	shalt  }
0x87: {  	_ =	shalt  }
.Lfunc_end0:
.L_simem_size_0:
called_computation.1_lowered:
.L_overlay_start_0:
0x88: {  	s2 =	sld [smem:$0x3FD9]  }
0x89: {  	s3 =	sld [smem:$0x3FFE];
	_ =	sdelay $0x1  }
0x8a: {  	s1 =	srdreg.scid  }
0x8b: {  	s0 =	sand.u32 $0x1, s1  }
0x8c: {  	s16 =	sshll.u32 s0, $0xA;
	s2 =	sadd.s32 s3, s2  }
0x8d: {  	s2 =	sadd.s32 s2, s16  }
0x8e: {  	[smem:$0x3FB8] =	sst s2  }
0x8f: {  	_ = 	snop  }
0x90: {  	(tm) =	ssettm $0x1  }
0x91: {  	s17 =	sld [smem:$0x3FFB];
	_ =	sdelay $0x3  }
0x92: {  	_ =	strace s17  }
0x93: {  	s2 =	sld [smem:$0x3FFC];
	_ =	sdelay $0x3  }
0x94: {  	_ =	strace s2  }
0x95: {  	s2 =	sld [smem:$0x3FFD];
	_ =	sdelay $0x3  }
0x96: {  	_ =	strace s2  }
0x97: {  	_ =	strace $0x8FFFFFFF  }
0x98: {  	s18 =	sld [smem:$0x3FDB];
	_ =	sdelay $0x1  }
0x99: {  	s19 =	simm.s32 $_scs_section_size  }
0x9a: {  	s4 =	simm.s32 $_size__tile_overlayer_lowered;
	s5 =	simm.s32 $_tile_overlayer_lowered  }
0x9b: {  	s22 =	simm.s32 $0x1BFF;
	s21 =	sshll.u32 s5, $0x1;
	s2 =	sadd.s32 s19, s18  }
0x9c: {  	s6 =	simm.s32 $0x0;
	s20 =	sshll.u32 s4, $0x1;
	s4 =	sadd.s32 s21, s2  }
0x9d: {  	[timem:s6], [sflag:s22] =	dma.local [hbm:s4], s20  }
0x9e: {  	_ =	swait.ge [sflag:s22], s20  }
0x9f: {  	s3 =	ssub.s32 $0x0, s20;
	[sflag:s22] =	ssyncset.done $0x0  }
0xa0: {  	[sflag:s22] =	ssyncadd.s32 s3;
	_ =	sdelay $0x1  }
0xa1: {  	s23 =	simm.s32 $0x1B8B  }
0xa2: {  	_ =	swait.ge [sflag:s23], $0x1  }
0xa3: {  	[sflag:s23] =	ssyncset.done $0x0  }
0xa4: {  	s25 =	simm.s32 $0x1B8E;
	s24 =	sld [smem:$0x3FFE];
	[sflag:s23] =	ssyncadd.s32 $0xFFFFFFFF  }
0xa5: {  	s26 =	simm.s32 $execute0_lowered;
	[smem:$0x3FD2] =	sst s25  }
0xa6: {  	s4 =	sshll.u32 s26, $0x1;
	_ =	strace $0x80000049;
	[dreg:$0x1] =	wrdreg $0xFFFFFFFF  }
0xa7: {  	s28 =	simm.s32 $_size_execute0_lowered;
	s2 =	sadd.s32 s2, s4;
	[dreg:$0x0] =	wrdreg $0x0  }
0xa8: {  	s4 =	sshll.u32 s28, $0x1;
	[dreg:$0x2] =	wrdreg s2  }
0xa9: {  	[dreg:$0x3] =	wrdreg s4  }
0xaa: {  	[dreg:$0x4] =	wrdreg $0xC0  }
0xab: {  	_ =	task [dreg:s6], $0x5FFFF  }
0xac: {  	[dreg:$0x1] =	wrdreg $0xFFFFFFFF  }
0xad: {  	[dreg:$0x0] =	wrdreg $0x60  }
0xae: {  	[dreg:$0x2] =	wrdreg s24  }
0xaf: {  	[dreg:$0x3] =	wrdreg $0x9  }
0xb0: {  	_ =	task.clear_ibuf [dreg:s6], $0x4FFFF;
	_ =	strace $0x90000049  }
0xb1: {  	s29 =	simm.s32 $0x9;
	_ =	strace $0x8000004B  }
0xb2: {  	_ =	swait.ge [sflag:s29], $0x1  }
0xb3: {  	[sflag:s29] =	ssyncadd.s32 $0xFFFFFFFF  }
0xb4: {  	_ =	strace $0x9000004B  }
0xb5: {  	_ =	sfence  }
0xb6: {  	s30 =	sld [smem:$0x0];
	_ =	sdelay $0x2  }
0xb7: {  	s31 =	sshll.u32 s1, $0xD;
	s1 =	sshrl.u32 s1, $0x2  }
0xb8: {  	s3 =	sand.u32 $0x4000, s31;
	s1 =	sadd.s32 s1, s30  }
0xb9: {  	s0 =	sor.u32 s3, s0;
	s1 =	sshll.u32 s1, $0x11  }
0xba: {  	s0 =	sor.u32 s1, s0  }
0xbb: {  	s0 =	sadd.s32 $0x8F2B, s0  }
0xbc: {  	[sflag:s0] =	ssyncadd.remote.s32 $0x1  }
0xbd: {  	_ =	sfence.sel $0xFFFF  }
0xbe: {  	[dreg:$0x0] =	wrdreg $0xFFFFFFFF;
	(pc) =	sbr.abs _section_cstart, $3  }
0xbf: {  	[dreg:$0x1] =	wrdreg $0xFFFFFFFF  }
0xc0: {  	_ =	task.clear_ibuf [dreg:s6], $0x2FFFF;
	_ =	strace $0x9FFFFFFF  }
0xc1: {  	(tm) =	ssettm $0x7FFFFFFF  }
tec
execute0_lowered:
.L_overlay_start_1:
0x0: {  	(tag) =	ssettag $0x1  }
0x1: {  	s5 =	rddreg [dreg:$0x0]  }
0x2: {  	s0 =	rddreg [dreg:$0x1];
	s3 =	srdreg.scid  }
0x3: {  	s1 =	stileid.u32;
	s2 =	simm.s32 $0x0;
	s13 =	simm.s32 $0x400  }
0x4: {  	s14 =	simm.s32 $0x1;
	s15 =	simm.s32 $0x13C00;
	s16 =	simm.s32 $0x16380  }
0x5: {  	s17 =	simm.s32 $0x9E00;
	s4 =	sand.u32 $0x1, s3;
	s31 =	sshll.u32 s1, $0x1  }
0x6: {  	s18 =	simm.s32 $0x0;
	[smem:$0x7FF] =	sst s2;
	s6 =	sor.u32 s4, s31  }
0x7: {  	s3 =	sadd.s32 $0x29800, s5;
	s4 =	ssub.s32 $0x2, s4;
	s7 =	smul.u32 $0x2780, s6  }
0x8: {  	s10 =	sadd.s32 $0x15E00, s5;
	s8 =	sshrl.u32 s4, $0x1;
	s9 =	smul.u32 $0x4E20, s6  }
0x9: {  	s11 =	sadd.s32 $0x2400, s5;
	_ =	strace $0x8000004A;
	s8 =	ssub.s32 s4, s8  }
0xa: {  	s7 =	sadd.s32 s7, s5;
	s5 =	sadd.s32 $0x29840, s5;
	s12 =	sshrl.u32 s9, $0x3  }
0xb: {  	s4 =	sadd.s32 $0x2C000, s7;
	s6 =	sadd.s32 $0x2C040, s7;
	s7 =	smax.u32 s8, $0x1  }
0xc: {  	s8 =	sadd.s32 s10, s12;
	s9 =	sadd.s32 s11, s12;
	s12 =	sadd.s32 $0x4E2, s12  }
0xd: {  	v0 =	vimm.f32 $0.0e+00;
	s10 =	sadd.s32 s10, s12;
	s11 =	sadd.s32 s11, s12;
	s12 =	simm.s32 $0x200  }
.LBB2_1:
0xe: {  	[tilespmem:s2], [sflag:$0x1] =	stream.strided.gather [hbm4b:s3+s12], $0x9E00, s13, s12, $0x38;
	[tilespmem:$0x18B00] =	vst v63  }
0xf: {  	_ =	swait.ge [sflag:s14], $0x9E00  }
0x10: {  	s19 =	sand.u32 $0x70, s2;
	s20 =	sand.u32 $0xFE00, s2;
	[sflag:s14] =	ssyncset.done $0x0  }
0x11: {  	s21 =	sor.u32 s19, s20;
	[sflag:s14] =	ssyncadd.s32 $0xFFFF6200  }
0x12: {  	[tilespmem:s21+$0x9F80] =	vst v0  }
0x13: {  	[tilespmem:s21+$0x9E00] =	vst v0  }
0x14: {  	s19 =	simm.s32 $0x10;
	s20 =	simm.s32 $0x0;
	[tilespmem:s21+$0x9E80] =	vst v0  }
.LBB2_2:
0x15: {  	s22 =	sand.u32 $0x70, s19;
	[tilespmem:s21+$0x9F00] =	vst v0;
	s20 =	sadd.s32 $0x40, s20;
	p0 =	sne.s32 s19, $0x2700  }
.Ltmp0:
0x16: {  	s19 =	sadd.s32 $0x10, s19;
	s21 =	sand.u32 $0xFE00, s20;
	(pc) =	sbr.rel @p0 .LBB2_2-.Ltmp0, $4  }
0x17: {  	s21 =	sor.u32 s22, s21  }
0x18: {  	[tilespmem:s21+$0x9F80] =	vst v0  }
0x19: {  	[tilespmem:s21+$0x9E00] =	vst v0  }
0x1a: {  	[tilespmem:s21+$0x9E80] =	vst v0  }
0x1b: {  	[tilespmem:s21+$0x9F00] =	vst v0;
	s19 =	simm.s32 $0x0  }
0x1c: {  	[tilespmem:s15], [sflag:$0x1] =	stream.linear.gather [hbm4b:s8+s19], $0x2710, $0x38;
	[tilespmem:$0x18B00] =	vst v63  }
0x1d: {  	_ =	swait.ge [sflag:s14], $0x2710  }
0x1e: {  	[sflag:s14] =	ssyncset.done $0x0  }
0x1f: {  	[sflag:s14] =	ssyncadd.s32 $0xFFFFD8F0  }
0x20: {  	[tilespmem:s16], [sflag:$0x1] =	stream.linear.gather [hbm4b:s9+s19], $0x2710, $0x38;
	[tilespmem:$0x18B00] =	vst v63  }
0x21: {  	_ =	swait.ge [sflag:s14], $0x2710  }
0x22: {  	[sflag:s14] =	ssyncset.done $0x0  }
0x23: {  	s31 =	simm.s32 $0x0;
	[sflag:s14] =	ssyncadd.s32 $0xFFFFD8F0  }
0x24: {  	v1 =	vld [tilespmem:s31+$0x13C00];
	_ =	sdelay $0x4  }
0x25: {  	v3 =	vld [tilespmem:s31+$0x16380];
	v2 =	vshll.u32 v1, $0x2  }
0x26: {  	v1 =	vand.u32 $0x7F, v1;
	v2 =	vand.u32 $0xFFFFFE00, v2  }
0x27: {  	v1 =	vor.u32 v1, v2;
	_ =	sdelay $0x2  }
0x28: {  	v2 =	vshll.u32 v3, $0x2  }
0x29: {  	v3 =	vand.u32 $0x7F, v3;
	v2 =	vand.u32 $0xFFFFFE00, v2  }
0x2a: {  	v2 =	vor.u32 v3, v2;
	v4 =	vld.idx.msk [tilespmem:v1+s2+$0x0], $0xffff  }
0x2b: {  	v3 =	vor.u32 $0x80, v1;
	_ =	sdelay $0x3  }
0x2c: {  	[tilespmem:v2+s17+$0x0] =	vst.idx.add.f32.msk $0xffff, v4  }
0x2d: {  	v62 =	vor.u32 $0x80, v2;
	v3 =	vld.idx.msk [tilespmem:v3+s2+$0x0], $0xffff  }
0x2e: {  	v5 =	vor.u32 $0x100, v1;
	_ =	sdelay $0x3  }
0x2f: {  	[tilespmem:v62+s17+$0x0] =	vst.idx.add.f32.msk $0xffff, v3  }
0x30: {  	v63 =	vor.u32 $0x100, v2;
	v3 =	vld.idx.msk [tilespmem:v5+s2+$0x0], $0xffff  }
0x31: {  	v1 =	vor.u32 $0x180, v1;
	_ =	sdelay $0x3  }
0x32: {  	[tilespmem:v63+s17+$0x0] =	vst.idx.add.f32.msk $0xffff, v3  }
0x33: {  	s20 =	simm.s32 $0x80;
	s19 =	simm.s32 $0x40;
	v2 =	vor.u32 $0x180, v2;
	v1 =	vld.idx.msk [tilespmem:v1+s2+$0x0], $0xffff  }
.LBB2_4:
0x34: {  	_ =	sdelay $0x2  }
0x35: {  	p0 =	sne.s32 s20, $0x9C00  }
0x36: {  	s21 =	sshra.s32 s19, $0x2;
	s19 =	smov.u32 s20;
	s20 =	sadd.s32 $0x40, s20;
	[tilespmem:v2+s17+$0x0] =	vst.idx.add.f32.msk $0xffff, v1  }
0x37: {  	v1 =	vld [tilespmem:s21+$0x13C00];
	_ =	sdelay $0x4  }
0x38: {  	v2 =	vshll.u32 v1, $0x2  }
0x39: {  	v1 =	vand.u32 $0x7F, v1;
	v3 =	vld [tilespmem:s21+$0x16380];
	v2 =	vand.u32 $0xFFFFFE00, v2  }
0x3a: {  	v1 =	vor.u32 v1, v2;
	_ =	sdelay $0x3  }
0x3b: {  	v2 =	vshll.u32 v3, $0x2  }
0x3c: {  	v3 =	vand.u32 $0x7F, v3;
	v4 =	vld.idx.msk [tilespmem:v1+s2+$0x0], $0xffff;
	v2 =	vand.u32 $0xFFFFFE00, v2  }
0x3d: {  	v2 =	vor.u32 v3, v2  }
0x3e: {  	v3 =	vor.u32 $0x80, v1;
	_ =	sdelay $0x3  }
0x3f: {  	[tilespmem:v2+s17+$0x0] =	vst.idx.add.f32.msk $0xffff, v4  }
0x40: {  	v3 =	vld.idx.msk [tilespmem:v3+s2+$0x0], $0xffff  }
0x41: {  	v4 =	vor.u32 $0x80, v2  }
0x42: {  	v5 =	vor.u32 $0x100, v1;
	_ =	sdelay $0x3  }
0x43: {  	[tilespmem:v4+s17+$0x0] =	vst.idx.add.f32.msk $0xffff, v3  }
0x44: {  	v3 =	vld.idx.msk [tilespmem:v5+s2+$0x0], $0xffff  }
0x45: {  	v4 =	vor.u32 $0x100, v2  }
0x46: {  	v1 =	vor.u32 $0x180, v1;
	_ =	sdelay $0x1  }
.Ltmp1:
0x47: {  	(pc) =	sbr.rel @p0 .LBB2_4-.Ltmp1, $4  }
0x48: {  	_ = 	snop  }
0x49: {  	[tilespmem:v4+s17+$0x0] =	vst.idx.add.f32.msk $0xffff, v3  }
0x4a: {  	v1 =	vld.idx.msk [tilespmem:v1+s2+$0x0], $0xffff  }
0x4b: {  	v2 =	vor.u32 $0x180, v2  }
0x4c: {  	_ =	sdelay $0x3  }
0x4d: {  	s19 =	sshra.s32 s19, $0x2;
	[tilespmem:v2+s17+$0x0] =	vst.idx.add.f32.msk $0xffff, v1  }
0x4e: {  	v1 =	vld [tilespmem:s19+$0x13C00];
	_ =	sdelay $0x4  }
0x4f: {  	v3 =	vld [tilespmem:s19+$0x16380];
	v2 =	vshll.u32 v1, $0x2  }
0x50: {  	v1 =	vand.u32 $0x7F, v1;
	v2 =	vand.u32 $0xFFFFFE00, v2  }
0x51: {  	v1 =	vor.u32 v1, v2;
	_ =	sdelay $0x2  }
0x52: {  	v2 =	vshll.u32 v3, $0x2  }
0x53: {  	v3 =	vand.u32 $0x7F, v3;
	v2 =	vand.u32 $0xFFFFFE00, v2  }
0x54: {  	v2 =	vor.u32 v3, v2;
	v4 =	vld.idx.msk [tilespmem:v1+s2+$0x0], $0xffff  }
0x55: {  	v3 =	vor.u32 $0x80, v1;
	_ =	sdelay $0x3  }
0x56: {  	[tilespmem:v2+s17+$0x0] =	vst.idx.add.f32.msk $0xffff, v4  }
0x57: {  	v58 =	vor.u32 $0x80, v2;
	v3 =	vld.idx.msk [tilespmem:v3+s2+$0x0], $0xffff  }
0x58: {  	v5 =	vor.u32 $0x100, v1;
	_ =	sdelay $0x3  }
0x59: {  	[tilespmem:v58+s17+$0x0] =	vst.idx.add.f32.msk $0xffff, v3  }
0x5a: {  	v59 =	vor.u32 $0x100, v2;
	v3 =	vld.idx.msk [tilespmem:v5+s2+$0x0], $0xffff  }
0x5b: {  	v1 =	vor.u32 $0x180, v1;
	_ =	sdelay $0x3  }
0x5c: {  	[tilespmem:v59+s17+$0x0] =	vst.idx.add.f32.msk $0xffff, v3  }
0x5d: {  	v2 =	vor.u32 $0x180, v2;
	v1 =	vld.idx.msk [tilespmem:v1+s2+$0x0], $0xffff;
	_ =	sdelay $0x4  }
0x5e: {  	s30 =	simm.s32 $0x0;
	[tilespmem:v2+s17+$0x0] =	vst.idx.add.f32.msk $0xffff, v1  }
0x5f: {  	[tilespmem:s15], [sflag:$0x1] =	stream.linear.gather [hbm4b:s10+s30], $0x2710, $0x38;
	[tilespmem:$0x18B00] =	vst v63  }
0x60: {  	_ =	swait.ge [sflag:s14], $0x2710  }
0x61: {  	[sflag:s14] =	ssyncset.done $0x0  }
0x62: {  	[sflag:s14] =	ssyncadd.s32 $0xFFFFD8F0  }
0x63: {  	[tilespmem:s16], [sflag:$0x1] =	stream.linear.gather [hbm4b:s11+s30], $0x2710, $0x38;
	[tilespmem:$0x18B00] =	vst v63  }
0x64: {  	_ =	swait.ge [sflag:s14], $0x2710  }
0x65: {  	[sflag:s14] =	ssyncset.done $0x0  }
0x66: {  	s31 =	simm.s32 $0x0;
	[sflag:s14] =	ssyncadd.s32 $0xFFFFD8F0  }
0x67: {  	v1 =	vld [tilespmem:s31+$0x13C00];
	_ =	sdelay $0x4  }
0x68: {  	v3 =	vld [tilespmem:s31+$0x16380];
	v2 =	vshll.u32 v1, $0x2  }
0x69: {  	v1 =	vand.u32 $0x7F, v1;
	v2 =	vand.u32 $0xFFFFFE00, v2  }
0x6a: {  	v1 =	vor.u32 v1, v2;
	_ =	sdelay $0x2  }
0x6b: {  	v2 =	vshll.u32 v3, $0x2  }
0x6c: {  	v3 =	vand.u32 $0x7F, v3;
	v2 =	vand.u32 $0xFFFFFE00, v2  }
0x6d: {  	v2 =	vor.u32 v3, v2;
	v60 =	vld.idx.msk [tilespmem:v1+s2+$0x0], $0xffff  }
0x6e: {  	v3 =	vor.u32 $0x80, v1;
	_ =	sdelay $0x3  }
0x6f: {  	[tilespmem:v2+s17+$0x0] =	vst.idx.add.f32.msk $0xffff, v60  }
0x70: {  	v61 =	vor.u32 $0x80, v2;
	v3 =	vld.idx.msk [tilespmem:v3+s2+$0x0], $0xffff  }
0x71: {  	v62 =	vor.u32 $0x100, v1;
	_ =	sdelay $0x3  }
0x72: {  	[tilespmem:v61+s17+$0x0] =	vst.idx.add.f32.msk $0xffff, v3  }
0x73: {  	v63 =	vor.u32 $0x100, v2;
	v3 =	vld.idx.msk [tilespmem:v62+s2+$0x0], $0xffff  }
0x74: {  	v1 =	vor.u32 $0x180, v1;
	_ =	sdelay $0x3  }
0x75: {  	[tilespmem:v63+s17+$0x0] =	vst.idx.add.f32.msk $0xffff, v3  }
0x76: {  	s20 =	simm.s32 $0x80;
	s19 =	simm.s32 $0x40;
	v2 =	vor.u32 $0x180, v2;
	v1 =	vld.idx.msk [tilespmem:v1+s2+$0x0], $0xffff  }
.LBB2_6:
0x77: {  	_ =	sdelay $0x2  }
0x78: {  	p0 =	sne.s32 s20, $0x9C00  }
0x79: {  	s21 =	sshra.s32 s19, $0x2;
	s19 =	smov.u32 s20;
	s20 =	sadd.s32 $0x40, s20;
	[tilespmem:v2+s17+$0x0] =	vst.idx.add.f32.msk $0xffff, v1  }
0x7a: {  	v1 =	vld [tilespmem:s21+$0x13C00];
	_ =	sdelay $0x4  }
0x7b: {  	v2 =	vshll.u32 v1, $0x2  }
0x7c: {  	v1 =	vand.u32 $0x7F, v1;
	v3 =	vld [tilespmem:s21+$0x16380];
	v2 =	vand.u32 $0xFFFFFE00, v2  }
0x7d: {  	v1 =	vor.u32 v1, v2;
	_ =	sdelay $0x3  }
0x7e: {  	v2 =	vshll.u32 v3, $0x2  }
0x7f: {  	v3 =	vand.u32 $0x7F, v3;
	v4 =	vld.idx.msk [tilespmem:v1+s2+$0x0], $0xffff;
	v2 =	vand.u32 $0xFFFFFE00, v2  }
0x80: {  	v2 =	vor.u32 v3, v2  }
0x81: {  	v3 =	vor.u32 $0x80, v1;
	_ =	sdelay $0x3  }
0x82: {  	[tilespmem:v2+s17+$0x0] =	vst.idx.add.f32.msk $0xffff, v4  }
0x83: {  	v3 =	vld.idx.msk [tilespmem:v3+s2+$0x0], $0xffff  }
0x84: {  	v4 =	vor.u32 $0x80, v2  }
0x85: {  	v5 =	vor.u32 $0x100, v1;
	_ =	sdelay $0x3  }
0x86: {  	[tilespmem:v4+s17+$0x0] =	vst.idx.add.f32.msk $0xffff, v3  }
0x87: {  	v3 =	vld.idx.msk [tilespmem:v5+s2+$0x0], $0xffff  }
0x88: {  	v4 =	vor.u32 $0x100, v2  }
0x89: {  	v1 =	vor.u32 $0x180, v1;
	_ =	sdelay $0x1  }
.Ltmp2:
0x8a: {  	(pc) =	sbr.rel @p0 .LBB2_6-.Ltmp2, $4  }
0x8b: {  	_ = 	snop  }
0x8c: {  	[tilespmem:v4+s17+$0x0] =	vst.idx.add.f32.msk $0xffff, v3  }
0x8d: {  	v1 =	vld.idx.msk [tilespmem:v1+s2+$0x0], $0xffff  }
0x8e: {  	v2 =	vor.u32 $0x180, v2  }
0x8f: {  	_ =	sdelay $0x3  }
0x90: {  	s19 =	sshra.s32 s19, $0x2;
	[tilespmem:v2+s17+$0x0] =	vst.idx.add.f32.msk $0xffff, v1  }
0x91: {  	v1 =	vld [tilespmem:s19+$0x13C00];
	_ =	sdelay $0x4  }
0x92: {  	v3 =	vld [tilespmem:s19+$0x16380];
	v2 =	vshll.u32 v1, $0x2  }
0x93: {  	v1 =	vand.u32 $0x7F, v1;
	v2 =	vand.u32 $0xFFFFFE00, v2  }
0x94: {  	v1 =	vor.u32 v1, v2;
	_ =	sdelay $0x2  }
0x95: {  	v2 =	vshll.u32 v3, $0x2  }
0x96: {  	v3 =	vand.u32 $0x7F, v3;
	v2 =	vand.u32 $0xFFFFFE00, v2  }
0x97: {  	v2 =	vor.u32 v3, v2;
	v4 =	vld.idx.msk [tilespmem:v1+s2+$0x0], $0xffff  }
0x98: {  	v3 =	vor.u32 $0x80, v1;
	_ =	sdelay $0x3  }
0x99: {  	[tilespmem:v2+s17+$0x0] =	vst.idx.add.f32.msk $0xffff, v4  }
0x9a: {  	v62 =	vor.u32 $0x80, v2;
	v3 =	vld.idx.msk [tilespmem:v3+s2+$0x0], $0xffff  }
0x9b: {  	v5 =	vor.u32 $0x100, v1;
	_ =	sdelay $0x3  }
0x9c: {  	[tilespmem:v62+s17+$0x0] =	vst.idx.add.f32.msk $0xffff, v3  }
0x9d: {  	v63 =	vor.u32 $0x100, v2;
	v3 =	vld.idx.msk [tilespmem:v5+s2+$0x0], $0xffff  }
0x9e: {  	v1 =	vor.u32 $0x180, v1;
	_ =	sdelay $0x3  }
0x9f: {  	[tilespmem:v63+s17+$0x0] =	vst.idx.add.f32.msk $0xffff, v3  }
0xa0: {  	v2 =	vor.u32 $0x180, v2;
	v1 =	vld.idx.msk [tilespmem:v1+s2+$0x0], $0xffff;
	_ =	sdelay $0x4  }
0xa1: {  	[tilespmem:v2+s17+$0x0] =	vst.idx.add.f32.msk $0xffff, v1  }
0xa2: {  	[hbm4b:s4+s12] =	stream.strided.scatter [tilespmem:s17], [sflag:$0x1], $0x9E00, s13, s12, $0x38;
	[tilespmem:$0x18B00] =	vst v63  }
0xa3: {  	_ =	swait.ge [sflag:s14], $0x9E00  }
0xa4: {  	[sflag:s14] =	ssyncset.done $0x0  }
0xa5: {  	s19 =	simm.s32 $0x0;
	[sflag:s14] =	ssyncadd.s32 $0xFFFF6200  }
0xa6: {  	[tilespmem:s19], [sflag:$0x1] =	stream.strided.gather [hbm4b:s5+s12], $0x9E00, s13, s12, $0x38;
	[tilespmem:$0x18B00] =	vst v63  }
0xa7: {  	_ =	swait.ge [sflag:s14], $0x9E00  }
0xa8: {  	s20 =	sand.u32 $0x70, s19;
	s21 =	sand.u32 $0xFE00, s19;
	[sflag:s14] =	ssyncset.done $0x0  }
0xa9: {  	s21 =	sor.u32 s20, s21;
	[sflag:s14] =	ssyncadd.s32 $0xFFFF6200  }
0xaa: {  	[tilespmem:s21+$0x9F80] =	vst v0  }
0xab: {  	[tilespmem:s21+$0x9E00] =	vst v0  }
0xac: {  	s20 =	simm.s32 $0x10;
	[tilespmem:s21+$0x9E80] =	vst v0  }
.LBB2_8:
0xad: {  	s22 =	sand.u32 $0x70, s20;
	[tilespmem:s21+$0x9F00] =	vst v0;
	s19 =	sadd.s32 $0x40, s19;
	p0 =	sne.s32 s20, $0x2700  }
.Ltmp3:
0xae: {  	s20 =	sadd.s32 $0x10, s20;
	s21 =	sand.u32 $0xFE00, s19;
	(pc) =	sbr.rel @p0 .LBB2_8-.Ltmp3, $4  }
0xaf: {  	s21 =	sor.u32 s22, s21  }
0xb0: {  	[tilespmem:s21+$0x9F80] =	vst v0  }
0xb1: {  	[tilespmem:s21+$0x9E00] =	vst v0  }
0xb2: {  	[tilespmem:s21+$0x9E80] =	vst v0  }
0xb3: {  	[tilespmem:s21+$0x9F00] =	vst v0;
	s19 =	simm.s32 $0x0  }
0xb4: {  	[tilespmem:s15], [sflag:$0x1] =	stream.linear.gather [hbm4b:s8+s19], $0x2710, $0x38;
	[tilespmem:$0x18B00] =	vst v63  }
0xb5: {  	_ =	swait.ge [sflag:s14], $0x2710  }
0xb6: {  	[sflag:s14] =	ssyncset.done $0x0  }
0xb7: {  	[sflag:s14] =	ssyncadd.s32 $0xFFFFD8F0  }
0xb8: {  	[tilespmem:s16], [sflag:$0x1] =	stream.linear.gather [hbm4b:s9+s19], $0x2710, $0x38;
	[tilespmem:$0x18B00] =	vst v63  }
0xb9: {  	_ =	swait.ge [sflag:s14], $0x2710  }
0xba: {  	[sflag:s14] =	ssyncset.done $0x0  }
0xbb: {  	s31 =	simm.s32 $0x0;
	[sflag:s14] =	ssyncadd.s32 $0xFFFFD8F0  }
0xbc: {  	v1 =	vld [tilespmem:s31+$0x13C00];
	_ =	sdelay $0x4  }
0xbd: {  	v3 =	vld [tilespmem:s31+$0x16380];
	v2 =	vshll.u32 v1, $0x2  }
0xbe: {  	v1 =	vand.u32 $0x7F, v1;
	v2 =	vand.u32 $0xFFFFFE00, v2  }
0xbf: {  	v1 =	vor.u32 v1, v2;
	_ =	sdelay $0x2  }
0xc0: {  	v2 =	vshll.u32 v3, $0x2  }
0xc1: {  	v3 =	vand.u32 $0x7F, v3;
	v2 =	vand.u32 $0xFFFFFE00, v2  }
0xc2: {  	v2 =	vor.u32 v3, v2;
	v4 =	vld.idx.msk [tilespmem:v1+s2+$0x0], $0xffff  }
0xc3: {  	v3 =	vor.u32 $0x80, v1;
	_ =	sdelay $0x3  }
0xc4: {  	[tilespmem:v2+s17+$0x0] =	vst.idx.add.f32.msk $0xffff, v4  }
0xc5: {  	v62 =	vor.u32 $0x80, v2;
	v3 =	vld.idx.msk [tilespmem:v3+s2+$0x0], $0xffff  }
0xc6: {  	v5 =	vor.u32 $0x100, v1;
	_ =	sdelay $0x3  }
0xc7: {  	[tilespmem:v62+s17+$0x0] =	vst.idx.add.f32.msk $0xffff, v3  }
0xc8: {  	v63 =	vor.u32 $0x100, v2;
	v3 =	vld.idx.msk [tilespmem:v5+s2+$0x0], $0xffff  }
0xc9: {  	v1 =	vor.u32 $0x180, v1;
	_ =	sdelay $0x3  }
0xca: {  	[tilespmem:v63+s17+$0x0] =	vst.idx.add.f32.msk $0xffff, v3  }
0xcb: {  	s20 =	simm.s32 $0x80;
	s19 =	simm.s32 $0x40;
	v2 =	vor.u32 $0x180, v2;
	v1 =	vld.idx.msk [tilespmem:v1+s2+$0x0], $0xffff  }
.LBB2_10:
0xcc: {  	_ =	sdelay $0x2  }
0xcd: {  	p0 =	sne.s32 s20, $0x9C00  }
0xce: {  	s21 =	sshra.s32 s19, $0x2;
	s19 =	smov.u32 s20;
	s20 =	sadd.s32 $0x40, s20;
	[tilespmem:v2+s17+$0x0] =	vst.idx.add.f32.msk $0xffff, v1  }
0xcf: {  	v1 =	vld [tilespmem:s21+$0x13C00];
	_ =	sdelay $0x4  }
0xd0: {  	v2 =	vshll.u32 v1, $0x2  }
0xd1: {  	v1 =	vand.u32 $0x7F, v1;
	v3 =	vld [tilespmem:s21+$0x16380];
	v2 =	vand.u32 $0xFFFFFE00, v2  }
0xd2: {  	v1 =	vor.u32 v1, v2;
	_ =	sdelay $0x3  }
0xd3: {  	v2 =	vshll.u32 v3, $0x2  }
0xd4: {  	v3 =	vand.u32 $0x7F, v3;
	v4 =	vld.idx.msk [tilespmem:v1+s2+$0x0], $0xffff;
	v2 =	vand.u32 $0xFFFFFE00, v2  }
0xd5: {  	v2 =	vor.u32 v3, v2  }
0xd6: {  	v3 =	vor.u32 $0x80, v1;
	_ =	sdelay $0x3  }
0xd7: {  	[tilespmem:v2+s17+$0x0] =	vst.idx.add.f32.msk $0xffff, v4  }
0xd8: {  	v3 =	vld.idx.msk [tilespmem:v3+s2+$0x0], $0xffff  }
0xd9: {  	v4 =	vor.u32 $0x80, v2  }
0xda: {  	v5 =	vor.u32 $0x100, v1;
	_ =	sdelay $0x3  }
0xdb: {  	[tilespmem:v4+s17+$0x0] =	vst.idx.add.f32.msk $0xffff, v3  }
0xdc: {  	v3 =	vld.idx.msk [tilespmem:v5+s2+$0x0], $0xffff  }
0xdd: {  	v4 =	vor.u32 $0x100, v2  }
0xde: {  	v1 =	vor.u32 $0x180, v1;
	_ =	sdelay $0x1  }
.Ltmp4:
0xdf: {  	(pc) =	sbr.rel @p0 .LBB2_10-.Ltmp4, $4  }
0xe0: {  	_ = 	snop  }
0xe1: {  	[tilespmem:v4+s17+$0x0] =	vst.idx.add.f32.msk $0xffff, v3  }
0xe2: {  	v1 =	vld.idx.msk [tilespmem:v1+s2+$0x0], $0xffff  }
0xe3: {  	v2 =	vor.u32 $0x180, v2  }
0xe4: {  	_ =	sdelay $0x3  }
0xe5: {  	s19 =	sshra.s32 s19, $0x2;
	[tilespmem:v2+s17+$0x0] =	vst.idx.add.f32.msk $0xffff, v1  }
0xe6: {  	v1 =	vld [tilespmem:s19+$0x13C00];
	_ =	sdelay $0x4  }
0xe7: {  	v3 =	vld [tilespmem:s19+$0x16380];
	v2 =	vshll.u32 v1, $0x2  }
0xe8: {  	v1 =	vand.u32 $0x7F, v1;
	v2 =	vand.u32 $0xFFFFFE00, v2  }
0xe9: {  	v1 =	vor.u32 v1, v2;
	_ =	sdelay $0x2  }
0xea: {  	v2 =	vshll.u32 v3, $0x2  }
0xeb: {  	v3 =	vand.u32 $0x7F, v3;
	v2 =	vand.u32 $0xFFFFFE00, v2  }
0xec: {  	v2 =	vor.u32 v3, v2;
	v4 =	vld.idx.msk [tilespmem:v1+s2+$0x0], $0xffff  }
0xed: {  	v3 =	vor.u32 $0x80, v1;
	_ =	sdelay $0x3  }
0xee: {  	[tilespmem:v2+s17+$0x0] =	vst.idx.add.f32.msk $0xffff, v4  }
0xef: {  	v58 =	vor.u32 $0x80, v2;
	v3 =	vld.idx.msk [tilespmem:v3+s2+$0x0], $0xffff  }
0xf0: {  	v5 =	vor.u32 $0x100, v1;
	_ =	sdelay $0x3  }
0xf1: {  	[tilespmem:v58+s17+$0x0] =	vst.idx.add.f32.msk $0xffff, v3  }
0xf2: {  	v59 =	vor.u32 $0x100, v2;
	v3 =	vld.idx.msk [tilespmem:v5+s2+$0x0], $0xffff  }
0xf3: {  	v1 =	vor.u32 $0x180, v1;
	_ =	sdelay $0x3  }
0xf4: {  	[tilespmem:v59+s17+$0x0] =	vst.idx.add.f32.msk $0xffff, v3  }
0xf5: {  	v2 =	vor.u32 $0x180, v2;
	v1 =	vld.idx.msk [tilespmem:v1+s2+$0x0], $0xffff;
	_ =	sdelay $0x4  }
0xf6: {  	s30 =	simm.s32 $0x0;
	[tilespmem:v2+s17+$0x0] =	vst.idx.add.f32.msk $0xffff, v1  }
0xf7: {  	[tilespmem:s15], [sflag:$0x1] =	stream.linear.gather [hbm4b:s10+s30], $0x2710, $0x38;
	[tilespmem:$0x18B00] =	vst v63  }
0xf8: {  	_ =	swait.ge [sflag:s14], $0x2710  }
0xf9: {  	[sflag:s14] =	ssyncset.done $0x0  }
0xfa: {  	[sflag:s14] =	ssyncadd.s32 $0xFFFFD8F0  }
0xfb: {  	[tilespmem:s16], [sflag:$0x1] =	stream.linear.gather [hbm4b:s11+s30], $0x2710, $0x38;
	[tilespmem:$0x18B00] =	vst v63  }
0xfc: {  	_ =	swait.ge [sflag:s14], $0x2710  }
0xfd: {  	[sflag:s14] =	ssyncset.done $0x0  }
0xfe: {  	s31 =	simm.s32 $0x0;
	[sflag:s14] =	ssyncadd.s32 $0xFFFFD8F0  }
0xff: {  	v1 =	vld [tilespmem:s31+$0x13C00];
	_ =	sdelay $0x4  }
0x100: {  	v3 =	vld [tilespmem:s31+$0x16380];
	v2 =	vshll.u32 v1, $0x2  }
0x101: {  	v1 =	vand.u32 $0x7F, v1;
	v2 =	vand.u32 $0xFFFFFE00, v2  }
0x102: {  	v1 =	vor.u32 v1, v2;
	_ =	sdelay $0x2  }
0x103: {  	v2 =	vshll.u32 v3, $0x2  }
0x104: {  	v3 =	vand.u32 $0x7F, v3;
	v2 =	vand.u32 $0xFFFFFE00, v2  }
0x105: {  	v2 =	vor.u32 v3, v2;
	v60 =	vld.idx.msk [tilespmem:v1+s2+$0x0], $0xffff  }
0x106: {  	v3 =	vor.u32 $0x80, v1;
	_ =	sdelay $0x3  }
0x107: {  	[tilespmem:v2+s17+$0x0] =	vst.idx.add.f32.msk $0xffff, v60  }
0x108: {  	v61 =	vor.u32 $0x80, v2;
	v3 =	vld.idx.msk [tilespmem:v3+s2+$0x0], $0xffff  }
0x109: {  	v62 =	vor.u32 $0x100, v1;
	_ =	sdelay $0x3  }
0x10a: {  	[tilespmem:v61+s17+$0x0] =	vst.idx.add.f32.msk $0xffff, v3  }
0x10b: {  	v63 =	vor.u32 $0x100, v2;
	v3 =	vld.idx.msk [tilespmem:v62+s2+$0x0], $0xffff  }
0x10c: {  	v1 =	vor.u32 $0x180, v1;
	_ =	sdelay $0x3  }
0x10d: {  	[tilespmem:v63+s17+$0x0] =	vst.idx.add.f32.msk $0xffff, v3  }
0x10e: {  	s20 =	simm.s32 $0x80;
	s19 =	simm.s32 $0x40;
	v2 =	vor.u32 $0x180, v2;
	v1 =	vld.idx.msk [tilespmem:v1+s2+$0x0], $0xffff  }
.LBB2_12:
0x10f: {  	_ =	sdelay $0x2  }
0x110: {  	p0 =	sne.s32 s20, $0x9C00  }
0x111: {  	s21 =	sshra.s32 s19, $0x2;
	s19 =	smov.u32 s20;
	s20 =	sadd.s32 $0x40, s20;
	[tilespmem:v2+s17+$0x0] =	vst.idx.add.f32.msk $0xffff, v1  }
0x112: {  	v1 =	vld [tilespmem:s21+$0x13C00];
	_ =	sdelay $0x4  }
0x113: {  	v2 =	vshll.u32 v1, $0x2  }
0x114: {  	v1 =	vand.u32 $0x7F, v1;
	v3 =	vld [tilespmem:s21+$0x16380];
	v2 =	vand.u32 $0xFFFFFE00, v2  }
0x115: {  	v1 =	vor.u32 v1, v2;
	_ =	sdelay $0x3  }
0x116: {  	v2 =	vshll.u32 v3, $0x2  }
0x117: {  	v3 =	vand.u32 $0x7F, v3;
	v4 =	vld.idx.msk [tilespmem:v1+s2+$0x0], $0xffff;
	v2 =	vand.u32 $0xFFFFFE00, v2  }
0x118: {  	v2 =	vor.u32 v3, v2  }
0x119: {  	v3 =	vor.u32 $0x80, v1;
	_ =	sdelay $0x3  }
0x11a: {  	[tilespmem:v2+s17+$0x0] =	vst.idx.add.f32.msk $0xffff, v4  }
0x11b: {  	v3 =	vld.idx.msk [tilespmem:v3+s2+$0x0], $0xffff  }
0x11c: {  	v4 =	vor.u32 $0x80, v2  }
0x11d: {  	v5 =	vor.u32 $0x100, v1;
	_ =	sdelay $0x3  }
0x11e: {  	[tilespmem:v4+s17+$0x0] =	vst.idx.add.f32.msk $0xffff, v3  }
0x11f: {  	v3 =	vld.idx.msk [tilespmem:v5+s2+$0x0], $0xffff  }
0x120: {  	v4 =	vor.u32 $0x100, v2  }
0x121: {  	v1 =	vor.u32 $0x180, v1;
	_ =	sdelay $0x1  }
.Ltmp5:
0x122: {  	(pc) =	sbr.rel @p0 .LBB2_12-.Ltmp5, $4  }
0x123: {  	_ = 	snop  }
0x124: {  	[tilespmem:v4+s17+$0x0] =	vst.idx.add.f32.msk $0xffff, v3  }
0x125: {  	v1 =	vld.idx.msk [tilespmem:v1+s2+$0x0], $0xffff  }
0x126: {  	v2 =	vor.u32 $0x180, v2  }
0x127: {  	_ =	sdelay $0x3  }
0x128: {  	s19 =	sshra.s32 s19, $0x2;
	[tilespmem:v2+s17+$0x0] =	vst.idx.add.f32.msk $0xffff, v1  }
0x129: {  	v1 =	vld [tilespmem:s19+$0x13C00];
	_ =	sdelay $0x4  }
0x12a: {  	v3 =	vld [tilespmem:s19+$0x16380];
	v2 =	vshll.u32 v1, $0x2  }
0x12b: {  	v1 =	vand.u32 $0x7F, v1;
	v2 =	vand.u32 $0xFFFFFE00, v2  }
0x12c: {  	v1 =	vor.u32 v1, v2;
	_ =	sdelay $0x2  }
0x12d: {  	v2 =	vshll.u32 v3, $0x2  }
0x12e: {  	v3 =	vand.u32 $0x7F, v3;
	v2 =	vand.u32 $0xFFFFFE00, v2  }
0x12f: {  	v2 =	vor.u32 v3, v2;
	v4 =	vld.idx.msk [tilespmem:v1+s2+$0x0], $0xffff  }
0x130: {  	v3 =	vor.u32 $0x80, v1;
	_ =	sdelay $0x3  }
0x131: {  	[tilespmem:v2+s17+$0x0] =	vst.idx.add.f32.msk $0xffff, v4  }
0x132: {  	v62 =	vor.u32 $0x80, v2;
	v3 =	vld.idx.msk [tilespmem:v3+s2+$0x0], $0xffff  }
0x133: {  	v5 =	vor.u32 $0x100, v1;
	_ =	sdelay $0x3  }
0x134: {  	[tilespmem:v62+s17+$0x0] =	vst.idx.add.f32.msk $0xffff, v3  }
0x135: {  	v63 =	vor.u32 $0x100, v2;
	v3 =	vld.idx.msk [tilespmem:v5+s2+$0x0], $0xffff  }
0x136: {  	v1 =	vor.u32 $0x180, v1;
	_ =	sdelay $0x3  }
0x137: {  	[tilespmem:v63+s17+$0x0] =	vst.idx.add.f32.msk $0xffff, v3  }
0x138: {  	v2 =	vor.u32 $0x180, v2;
	v1 =	vld.idx.msk [tilespmem:v1+s2+$0x0], $0xffff;
	_ =	sdelay $0x2  }
0x139: {  	s18 =	sadd.s32 $0x1, s18  }
0x13a: {  	p0 =	sne.s32 s18, s7  }
.Ltmp6:
0x13b: {  	[tilespmem:v2+s17+$0x0] =	vst.idx.add.f32.msk $0xffff, v1;
	(pc) =	sbr.rel @p0 .LBB2_1-.Ltmp6, $4  }
0x13c: {  	[hbm4b:s6+s12] =	stream.strided.scatter [tilespmem:s17], [sflag:$0x1], $0x9E00, s13, s12, $0x38;
	[tilespmem:$0x18B00] =	vst v63  }
0x13d: {  	_ =	swait.ge [sflag:s14], $0x9E00  }
0x13e: {  	[sflag:s14] =	ssyncset.done $0x0  }
0x13f: {  	[sflag:s14] =	ssyncadd.s32 $0xFFFF6200  }
0x140: {  	_ =	sfence.sel $0x180000  }
0x141: {  	[bflag:$0x0] =	sbarrier.arrive $0xFFFF  }
0x142: {  	p0 =	sne.s32 s1, $0x0;
	_ =	strace $0x9000004A  }
0x143: {  	s0 =	sadd.s32 @!p0 $0x100000, s0;
	[bflag:$0x2] =	sbarrier.arrive $0xFFFF  }
0x144: {  	[sflag:s0] =	ssyncadd.tile.s32 @!p0 $0x1;
	_ =	shalt  }
.Lfunc_end2:
_tile_overlayer_lowered:
.L_overlay_start_2:
0x145: {  	(tag) =	ssettag $0x2  }
0x146: {  	s0 =	rddreg [dreg:$0x0];
	s2 =	stileid.u32  }
0x147: {  	s1 =	rddreg [dreg:$0x1];
	p0 =	sne.s32 s2, $0x0  }
0x148: {  	s3 =	rddreg [dreg:$0x2];
	[bflag:$0x3] =	sbarrier.arrive $0xFFFF;
	s2 =	simm.s32 @!p0 $0x1C01  }
0x149: {  	[timem:s3], [sflag:s2] =	dma.local @!p0 [hbm:s0], s1  }
0x14a: {  	s0 =	simm.s32 @!p0 $0x1  }
0x14b: {  	_ =	swait.ge @!p0 [sflag:s0], s1  }
0x14c: {  	s1 =	ssub.s32 @!p0 $0x0, s1;
	[sflag:s0] =	ssyncset.done @!p0 $0x0  }
0x14d: {  	[sflag:s0] =	ssyncadd.s32 @!p0 s1  }
0x14e: {  	[bflag:$0x3] =	sbarrier.arrive $0xFFFF  }
0x14f: {  	_ =	shalt  }

</sc_bundles>
